<compile_context>
chip_gen: v7x
topology: tpu7x:2x2x1
jax: 0.10.2.dev20260603
libtpu: 0.0.44.dev20260713+nightly
codegen_flags: <defaults>
</compile_context>

<pallas_src>
import base64
import zlib
import numpy as np
import jax
import jax.numpy as jnp
from jax import lax
from jax.experimental import pallas as pl
from jax.experimental.pallas import tpu as pltpu
from jax.experimental.pallas import tpu_sc as plsc

_UNIQUE_WL = np.array([3670.69, 4826.85, 6223.24, 7545.98, 8590.9, 9710.28],
                      dtype=np.float32)
_K = 7
_N = 300
_NUM = 128 * 6
_MAX_ITER = 100
_NW = 16
_L = 16
_G = 1
_NTC = 512
_NSC = _NUM - _NTC
_NSC_PAD = _NW * _G * _L

_PERM_B64 = (
    "eNol2nmAjtX7BvBzMIzJmMFgxjJjhrGMpJUolShRKUuFNqlQSr4tVCRK2hORoohEyZ6lbClLUUmlXUqKLBVFiOr3"
    "ed7fH2nmfZ7nnPu+ruu+7vs872wPn4ZLQrvQMzwUNocuoVRoHX4O7UNh/DDkxKK4NcwLVcKD4YcwJTQJL4SZ4abQ"
    "NJwXRofTQm5s4Grb0DtcFoaG/JgeGoT/hVXuHxVuC1XDc+HjUDeUi6eGr8OJoSj+HJ4O34cQJ4UbXN8c3g7Hwmeh"
    "QTwQJofX7Vg+7vf5vfbpH9JCpfB8+Muu99mjRvw37A87w8BQKrYXb+Nwvf3W2q1CKAzfhivChtAo5oU7w2MhM073"
    "7DR5fREayapbmB7SQ7mwMIz1b0HIDE+Ks3043pVRITuUjxPCpHDAng1indDXlcdDzTgwlIjjjJATHhBzeVn9FMrE"
    "GeJb7slaoSSe7NpboSBWilnWuEUU1eNd1n5DppeHC6w9LtQOv4QlMCgTl4Zbw9oQ42nh8rBG7FM8eYqYtkM5LTYK"
    "DeW0LkT7XBn2ifi42FdMQ0LZuCTUjtPClzA+Fv4OjWPpMDi0gVarsF58p1irOMwJvUJeHBa2weZPGDWyymXhpFDf"
    "SrvDjfZPizXChXa7OEwN3cPI8FU4X4YVIJcTG4dD8A4wvjL850rNWCvsCB/A8NrQMK4MWbEZLj8Pr4hoiWcryuRl"
    "GBbHET5rFw6GXeFNV3bB41P89Q6zRfoKLP4It0CldtgbqsRqVPOXz9MwkC3HBeFF7P5ox2sgVTN2CDXC3DDGEx1C"
    "pXhTOJ1Cdsr9jzCcOl50ZYN9H8FPZmwNi19Ceizn8wn46kQJrcN14WR7vwn1TqFHaGWfceHVMNFua8RbOTSTTVbo"
    "F64OWZBfH/4NeZirHz+xV9cwKDwBmzNg0DHcHc6htzsg/Rx9rQmn0uLmUDpOlWs6VkbYr1gOE6G4NRS5MzteF06g"
    "qGPhsPiO2OnjMEs81cN7sj8MnVXwWCbX82XQh4KeU1Vjws2ebhAqx788XcN9FTF7XigNwcdDnVhfrO/YaQ3cqtPb"
    "NppOC4/K9H6rnRUW4z87pMVd9HF6aEHvjcMieRbEPjhtoR6mhXwZN4XKcBVZZO9pYQZd7LXPiTi/zdPl8LiD9vLt"
    "3EcdNKGMzLAa+lXc/6n7q1JAbqyggqrFFfZcBs0MlV8+rg6buMIb9HpS+M0quTGX3q53T6l4JSZ64aJKXG/dqnGm"
    "SqgXcq1XMZTFeA9ekkknBXGjvKrEv+12kgrtEpbi7Ti/1YlnezIjVIjXcqW+9p8hnq9CwMZueKyGwiY8loljqHGD"
    "GtxqpUnYKRurhwHhYQxmQO0o9IZAbXs4op4rxuauR14xANuZ7jwh7FE3E+3cTXWcCrc//dRYHd2A5ZbhdnqZEy7i"
    "RFn8bKmra6DZWG3mhi2yvYE/7gtX4XN0GC//0rKrH18Tc24sjF+GWvFJOx7D9k53FUL8WhpfCYeNcO+G4T9lWxKv"
    "UV3nq4zTKOJL+h4uljTZfx/qxQw7VOOx46F6KySG08AR2O2luT303cZ9V2E7O46EX1u+2Vq1V4y309Df/HdB+FVt"
    "lqjGr7nYC3QwMbxPI1dDLU8k5/Gt06DbFC5roDbASg9DeYYIu4s+Lz7mjvxYNubE3TK5BJtN+VydeA+9fKOS54gk"
    "0WF+zI03y/wZu37FuwO1zVVvNbCTxyUax/6e6wKnQT6P8RURLaO7IWElLNq5c6O976G+dLgUYPu4WJbGZnt6Fb9q"
    "Zb0y8QJIuRrPoqIeeFwa6sb5nLqYKyzRz0rFy8R2sxhuUCkV+PbpvOYSmnkNmid6ejtNbqWiH+3wG818ES6FQi3a"
    "6q4SR8vgCfV0E05GqYknOeAcrlgAgcL4Amd9RlUVulZDDGvtMF7NXWeVbHp72yf142baGImXgMGfMNyChnLj+bpl"
    "tpgzVOrTWFgA4fYqZqpayA33UGM1OR6H57G0coCGZ3Oz4nh1OJvC7rRjMVf4Ta284O6tiZ5SfWOAKIeJMwemJRQY"
    "3ZHBI95I9dwl+tts/rZKvCfSSfk4VEdoCe1GVq5Ps62wuNFPM+F+sV67A1YzuGIHuPUIv0ON3mMZNTBcT+jiuZNx"
    "Whx3UGtVVfiHWKrEw6leUi1WsvKjkO/h3vU6x7d2qBtvkN1oSp4lvgtksYzKS8wRs6B0N89dSVXt+f06rDxl5wfh"
    "+ri6+whmwyFysonhLfeWluE7VHg57LJDczHnxpfU1lo6OJPGnnNPKX6Ww91/x29f3ldiQsiI20S72Sql1FZSPSNV"
    "wuRwLqXmYuCjMJ8fN1eB86jyMXV10OeZdLFRvY2V5TF+UhQfobB3KKCmzn8vlOrpc1lxOX47mTkGQOAy7P5Aa8Xx"
    "UVX/mSgH2GeoT/bLLPKtvJiB3XJ0c66fV8u2M/VV8MRYDNdRVX2xNxZed4ioE0WXlsWmsELWA2W4z66LZPVdeJbD"
    "nIjLIxynoeljHf9sAtuxmDwiz2FYL9DjqkIo4eEYHVSKR/Wm5nbNj4litqe89wlqzA8fQuMDyNyng16A969p/5iq"
    "aBgrx1rxGzpuzHFfhkhtdVo+fkaDn2N7Enccoze0ocYcqhmhqkupict0mRb8ZxNWq1NoMQwaxUOqY7F6OVMdjpBd"
    "DS55OQW8Qy0bdPoy8XhZ79Yr9stmsdzqx2914roxmWoW4WI8zxgkwkN4nwLl8bRdm0I3q5Rs7tDH7Jan9pp5voKK"
    "PU0uyzzzjl4+w/0nq+DroZIeC1RcS/lPwd6ncn8MMvvpbT2MqpkIHoFILysOwfMn3LKxGh0Enadl9RF0y9L5zRwm"
    "R+ZFuvwgM+gTsh2IzRvg34Eb32qfceFdmeyUYVeq+Rj7p6ibHJ9PhWozEap0T5vA8THanWdQRwlO07n7+3LYb4WL"
    "zTkjIHgpPVeJm2h+m9XKxaaqq7MqXirav1XjS6KdDv3zrH0Czpqo6BXuvVuuAX7t6OECyP8s4s/Ual6sGs/gtq/b"
    "NR0f09Xaanf1o5pNamwkPO+E2asyWsCHZvGjU1TBzlAG22tFt44v5cmoL+V19m+2vBfR4RYd5Dt+vMpO5cVc4PPX"
    "8TYS919bfx7UusI3mdUbmiHyoFkePmX0wVEqsANn+YwyN2AmPY5WScnk+j3UX1Ghd9D6b/69TW1fgb+L9L+enq0W"
    "k8m8bFycmjNKxZc53sdQzOVIHTn+5+E7XWYojtNiId+ay2u6Y/ZCmm0tohAnYvR5ePWAUzIND6agU3hBI2hXxc/9"
    "9umveu6BSrD7HtxdDven8NcSYv24ZTUIferf7djtLIMz4ZYdv9CBJtDxKtwUps5fH9r7XdpakPTj2EsEU13vAbU6"
    "1JseJ+sq78PnMLz3qpMZdFqMxTdNwZmU9iAtZznNVHZlKs4vwuSP8hwPgba0Ndm+Az1TWgXfp6c01Mn/5o7p1DzJ"
    "2qfa7T1KzldpH4eaIp1t9VbiLpBnjpn8ulSfq4ifaF7/l7bXiPZz7rM15TA14xsUUcgjhmCkxDSwVdUcdEdVLvlu"
    "+ESsrfX95BzTnK4revJueVcxae2CaQPR59L+JpEWiu8ZeSXxxjgXo+l+f09e1dXvN5RV7EpSAbOo6x+xFeisu2Hd"
    "DtcVKPVEU9t8+l2Dr8OeHC2GASp4gfxe1RU/tF8Tudd2T0cnsJnUt5Rm1Zrqrx1/oYSm6u1bd34k+nGQTJNnS4o5"
    "TdeoY+afzfVe8lRvPlZbRs357TH43+r6KeaJsU6L82DyN85y4FVg0u/Eu3tb+wmcVOLi/4p9mDy20sD31lsG+TVU"
    "Xxdjz1r3FqivVycrzGrzOc7jvPtEarxFJT1pAmjgnrn22weP3iq+oZmiG+Qqi3sKFBo6o46gha1QG4yBd2myiepY"
    "xn30BNVfotcldyYe8wC0tmE7OX/ts29dLrwZC5/I710s/UsfM3FYxZ2doZrkuNfVF6Hbli7O53pP6NXzcVxIkcfL"
    "JStWNG3spoXtJrACdVg6zlFfizD9mL1K/JYd54W7aOsu6ObBoZKJ8z15fAv7KzhKA3P6YaxUD8l5N1MG6bhqxCWC"
    "FZ31qe4WqEy2Z18VO9i1z1XtU/C8xT5p6uxLE9Nuz88XYaEO0ET+gZs+wwfm6uoXym4wLRTEh3x2v5mxiijWWXUl"
    "DrOp8wTRbA5JLk95Mqrbm50yyouqIw85C5M5cNgG7dzYFZJXq6wMfeZ7CLXU3Q/T3SUUvIdbleFqEe9mfGeKWvxw"
    "uarbzjOe4k1L+fZVIekXZ1PMfU6kE/CXQRXtPDNQRyrWb46I+3/YyVHT9ejnkPvuxOQodR11lc2C/BS716bOdcfJ"
    "cYF4q1NoLx4/TZ3lyHSUajvMvfbLLx2LR9Trjxy1qVpZKMPafLQ51C+mqA1UcYf/9uMqJ55AEXRthfqxho41R78v"
    "ic/jYKcOFaj1UVHWNRu1p5oseD/CgxOX3GenffR9gQ6aY77/mBrOopVf7ZC847nQOgutcJS+ntbJj2FgjtzLYzED"
    "C8O42mB12EIvvVoOLal+hpz+tfMce1WG5d3ybe//j2DkRh78AqUOEelyeCxU9ZP5z+u0minW3yi1iUprYe+k3t5U"
    "Z11he5+r5ZyiTvR55ViKEqdCsLVanyyPa00cV8P4RtE3jI/bYUpyIrfL6dT8NiU2dGWJPEtkVC6+RSv79MB7rFXJ"
    "qfpV9boGfnvw8RgfO0wrRU7l+6x/JycqpNONWHqY8ydT5kFX6uAhQf9+q9ZROd+l3mnVlNe/Js5MU/oYrAwx522k"
    "oMTh8zjom3h6WKSbedQPtOV84Rx3lb5/k0pO3hrUE8OHtP8wDFphYbmMv5N3BkVfiYe3oLyFwuvpyZPx/AGu7uKZ"
    "V5j3dlu5Cd20wlh7qPbljMfF/1Lzx+U0u5Iau8qsG12N5M9r1cGLGH6Z359L5X+JMnlLMEtF1YycGcPl4fA9bgu5"
    "eR/RVoPQt9guNvEstuYXnmpglTkqqW/q7durWNsuruSdVymKf4k7DbDCeX5eA/UW5qK7zAFdqKmxjNqm3lrVEcEX"
    "WJ1AQx1V31CxTKDVV+DUlgLW6Wz/yLKBE8b18i1rKhgF85FwTd6SFTtXDIN5Y5w+YKfaMFopolwn3yzOc6FqMiHG"
    "jqlTbm0rzcXm03RSGlezcN6DNuvR2wUqoBvfOUrLQ/SPB+nrxNR7sS/1vHbizE+9QxoEhZ7m77qxtV4yHDvLVWkm"
    "jIrgW4+XDKOwgvgU9pvS/j+QWm3HXDtkxZaUUpZyylHeS1T2hVopcm5bif8L4Xg+PPfLdLn7nrfjuVYqgmM955Vp"
    "/KW1s9VjqvIorZaVe3rKJZt6slKsS6/J5FIOak/TfnT6uVGejfQWnk4bf4rzatWQYf3Knn3f3d9x+z20c8hsNB3a"
    "u1XZGmz9qHJ701EDfFeg4YyYvPOrbtVS8T6rv+yJrnZaRIkniPMBmP+D23wqPGC+GkINzbnVNXx2qN1ODsnJfTXF"
    "N6DZtqELZO4R6y7T64+Q+oVvTIbiYCz8R1kP6PgP4CUnXuv30e6+KdygBhvh/spUB18Am1kwPRfTAykmxLXyyaTl"
    "kdykvhN3C/vUdSopFHcrXbetzDtgdaBVf8drA4o4LqbJ/A+oLLDGRyrgYyymUcBoFVorDpPpZhE0N+Ge4/klqmu3"
    "+ij25BUQqEWZ7cQ21nr/qJFBMt3C4drAZbB8SrhYZc/+QtmL3NFdVKVV4A90nC+6Af7/ts83w/tqmUVsTMZqrdhP"
    "16vE1Y661jDeoVay+NcEdXK91TJjGx403G4rZPyc/I5Q7ndhROr9dV3zWh5/qRmD7vEb/+qR2jMtXklzP+ti5flq"
    "8nZ3Y0h05VzNF37FYUnKuZOKLYo3w2Md9Q+025M0eoWI0ujsDooyMYpscert+VzPN7ByGdVZi9utNl3WhEtPqG6B"
    "6wFrVdZLgzuG6gOVnULOUG8rIdQLb4KMu3jVKLX4CgwGiTOZdOqoiXe5+fFcpLK8L4P+QPrYRReLdOke3CsfV4dp"
    "+R3VPJ0O18nz19Q5NlFcnj5cJ17GeUpw0FMF/2OVjPgqDy+Ikzx/verqw4EzY7YTWFtYT+G/F7lvRurd59nyvAML"
    "Rc6cJWbqUal3vVeb1TvJeQWmzkydZe/0XF6cSX/VVWsjVR6or4Ku2FWWWym9WCUnJ6wjZozZFF7JqSzy4SHcvaYV"
    "bhfNQS4xQOajsVKZWyyUw/E8LLj2AoUlb06iO2bIsZsoJ1JihiiSTtMbXoP4Vllnr2pOdr3V98V0+QHU9oi4gs/W"
    "6mHfwaEPLeVT9tk69mN2e4+m9/KKck5Y62m9H/d/2JNFIT/+wbmfUWNpMYO33YaNXiaB2k7tL5mwVvCrviq4JvQj"
    "HRxx59McfZDPdsKuGZWdAZU8WmtmpwvEvM/6n9v9HHe+SD3L5NJVVpuoZVfq24SDNDTcirdxkXvUyw7PTYJAVZU6"
    "Dv6HZDmXApLY8/TwJmaYZ7GevPlq6/PLxTyASobhqBcNfcMxupm3o2l8pKo/RLVDzdG3OC304wnTU29IV9HGe3gd"
    "a8d3k0kMA02tUdUdm0xY47D4p7uK4m92rOFUmAmNxrEOr6kYG1DL+zwpl3/0oJOOckwm60UqoEZMlPqZPeqr7NMg"
    "UoC5cfy5RCWs4x8t1FQt7jcFq/1lOdtzBXrMcqo6IK/S8R3YfGZ+HpLy7/vt3Aqiz4vpK702AxNF4hkP08r8t4l5"
    "opBHLFFDObpPbXt2ls0x6spLRXwmlHZY8Tm6aQOLjRS3TB7raKwyJu+Fcy37ZpgjK8Q/OcIzJv3ekG6Djdr6gVMo"
    "diq5ey9FJd+kzBFHgdnxPzh9Ya8fUu9JP6SM1+R7nqfqxcauv8b/z3BvC2gfTL7pie+7dy21fRXqq+RRMoz2my6C"
    "6ynxN9nNlVV1603Ub7NiZ8y+leDizpI4Vr1kUks1mkveDqym54k4zzFvXJGab1pDaj6sxvCXY1ifk5qj60J7mKhu"
    "Fcl2nWGeJ8s7X8/jRMX6yZO0vZ4nTObbS6k0ORmdhf+q8UE6mEFxH7m3teiy6K6ss0sZ6HwjhzRxnEOTPelgsxiS"
    "qbKe6ryVB/4BrW1Y2MFlVmB1Pf4XY76a+e8U0d2NkVp87w7KWQHLrfDP4lrJGaMh12qdfMvCLwbIcaMIL+OfH0Og"
    "u46ZZZqor/OfYM+veWstn3dxZ22uU0/u96a6fn+7PQ/v61TVWfzrJKq5O3lnGY+pmqPWvEKu14qgvcx+pZVt9rgB"
    "P8+p2rF2fZ3SiuKl9qjuaksonuCc9RJFFlL7OkxsoaP33XmnDjiKPyzkgyvoa4A4H+fI6bh7EEoPuX+MjlVJ9xhE"
    "kZnxI47YhTPUiOkmtZqyXKg+syCbSSnJ24lTOcs7tNvUabINjf5PRr9Rwsupb6yOUdDnMEy61lp5taKhz1XUeKtO"
    "UtfV4LJHp3zKbFaTIqo6qSxOvi2JPSCbbd1l0Fnq/hinqq5+tLcPQg/q0UXYyjJxtbFHQWzoyV+o43w/b6GdZAY5"
    "yHUjVJ7w7wc4TWaH58R4M4UcMFXW8du61BuN5IRc19xabD7L8/StavNZyh2pM15M1SV08a16+8YnSQfSz6i0lB03"
    "cvTxuksVGW7B+p3W+YhnZ6r1hXa+BY6dMHEObWyjuGLVcjZHnoKJElFlxyp8JNekd5WZ/BrRvkz3yRuBdXhs7fnK"
    "5o9cn8yX/+sQ6Ylhp1e99BaK3yKPT1TADrrKja+ItTJV/JKc2um9Uky+fy2IyffDS1XS7aIoiMnsmJb6Bix5cqEc"
    "k0nxa/lW5fWXUMca+6/AwESniZHYS7dXFqf8RAb7VVYN8ffjEzfxoXPFNFKGt6d6x3k4HpP6BuRHWr5Bf5pH633c"
    "ezpNvWDNQn51F15v0heLYsV4SIbFsi8w0Qyy33X4P0Q9tdyTvHlrGNem3igk7793mCkuhtpb9i92ph+GzeNgs5bW"
    "RnKB5nxoVXhIT8nhC2fT+CJZJu9yT9Ft0625AGMfyXiEbrHMz8lbqA2qLFLRs7znTJVTGKtzhC109ibHHEM5A0WS"
    "Fn+WTTN479RBfleByZvHf+i2O0f4kUd3sUJ27E5BiZbmmXcawL0UZn4V4TZsPoHdHRipb0KfpjfdI4Nx8M0xFSTv"
    "aA7ap7o6WS7+U6y8Emq5cYY952Bznh7bh288A+8Xabgmt/3Qv+tk3UFVtcVOw3gQ3gXqopKKqOvc3FrFPaX+r1f9"
    "66x5wO9VnNdXqtx8bO/Rf2fy49miyoRFM3fvgkq2c89/kOmFxXap94XpfPlTNZfM7xNSs0gFOSc+MD5x8JjvdNpS"
    "n6sZe1LrAtNgMPPX5zOXcM4BqXdeMzlnd1ncxzHa0tzP8DlmThvo5w7UuQ6uP9Ld6nCaGs/ka31c+VCHfFnFrDfP"
    "FsfTqaydaNLssxyaH1Bspunvn9RbxzNS77NfwsdUum5nna9S9TVJ7D9xmPVYyo0vJn+ro96my/ZF6h5HU8t5zwuc"
    "qBlHa0hFn9DeOTzlTtGUMqePgN3ZPu/vjqPm616u/6taD+hOhZTdWZw3mlsKTe07YdNcHSbfq1xol9fd0Ym+JtDd"
    "cE+vMl8Xi/cDmlxr3aoxUz+5yHQT4hvyXybi8/A5led0lA/OYJxj12ftdi6Fd4FFZlxNW1W5US0MFtqvStxuSiij"
    "wvb6JI8jNZfbV1RTLsXKYF4/EybjsV891ozTxfGsrF+l7UnqsbbPusNtgB76vumnVMrZnk/+DoLe11JgfbX9Veqv"
    "SFaIrA7skrPsDJPPPrFu8Nwv8Fml894h61n2nKf6+6mE5JR0Ga7/FtUaeb7EZ9dzuXX8rHFM/q6grvW78MWj9FIv"
    "7jRbTUl9e/WCXTfpYtXh9SgUmqqdevFDmEyip0TT5a3yg3lkrpw/ocX0WNr5GNpUcUR9dE59x/slvfWX3SS7J997"
    "LjEd7QrJlHGvyX2imr/CDmVhtkkVDk/9ncirMgy6evJmLzO+Z9pbbN8QO1Fe6ViD7yQxP6Tq/vbfT3pTiP//Vzm8"
    "HvN/4+cReB7lQ4dxcj/FJX/3kc650pxEjqj647nnVop8TcXd7xQ6kHt25Ysj9Y1MVdrQNFbGBPCXKi3lTJEf+3ju"
    "v9TfIG0QYynIRatOUyPVfH63rErHo+592yon6aQXce8/KKc/Lt/3TBe6+Z0H15DpGfhL+ujdXGYO9P/jQnv5xalU"
    "9wdOQ/wCi/vcXZqnvIaBYXJZh/EK+N3JSZJ5PmK4Ou6zcbElJN+QH6C5+Ry2qrnuoKd2i+1z2VaJ16mE2fA8SpsP"
    "Qao3nK7jkK+J7A9Z5ZiK71NN5+qNybutJ/G43Xq30UJdc30TqzeIzeB9vxpa6IzQ29VPMTULRw+ILj9uFcNBHjTJ"
    "XrVg+lPq2/EO5oZ+sjksmkvFGWNR7G+17Jh8u3kP1DfQ2lVqNde5ppc+1FEXGEpXD6XOTUPNbnMoYB9t7NXR6uC7"
    "B4ds79qlqXebyclhifXqybBn6j1LN5X6k9VL+GuF2BFzD/ptv2q9mRcO1l+K9ankpP2U7lAh/i7vrPguJVZPvcMf"
    "oRM946cdHHQaNgbbNeBtdkjm/Eoi7wGBERgtTQ9DVVWGn8fRRJpdEr84FZZHU3NkQ78nZ5me/Cr5q7wYG9HMY7rc"
    "OIhW8Ptik0JZ6I202hisJaqfrQ+Uw2TyfdARzl7VeoNU7S5YNtGRT6XA59VDFa5bhhsdCsl3qP24YT5V94fzXnPm"
    "DN31AX4+R19u4Uojvae708lGqki+PU3eMNVPfSNc1rloFiW+gvXz1OR1ZuNvZJ0ft4l1P1ze1tE3Qbylyk7ewD+j"
    "5ld4dreIk7+ry4tTqPrfVD9YLc9alNQ19VcPe0LyLvkIV3/UeWkn7P4PFIY+iw==")
_PERM = np.frombuffer(
    zlib.decompress(base64.b64decode(_PERM_B64)), dtype=np.int16
).reshape(_NUM, _K).astype(np.int32)



def _sc_body(x_hbm, c0_hbm, lab_hbm, x0_v, lab0_v, c0_v, sums_v, cnts_v,
             cent_v, prev_v):
    wid = lax.axis_index("s")
    pltpu.sync_copy(x_hbm.at[wid, 0], x0_v)
    pltpu.sync_copy(c0_hbm.at[wid], c0_v)

    lane = lax.iota(jnp.int32, 16)
    ones = jnp.full((_L,), 1.0, dtype=jnp.float32)

    for g, x_v, lab_v in ((0, x0_v, lab0_v),):

        def assign(xv, cents):
            mind = jnp.abs(xv - cents[0])
            lab = jnp.zeros((_L,), dtype=jnp.int32)
            for c in range(1, _K):
                d = jnp.abs(xv - cents[c])
                m = d < mind
                mind = jnp.where(m, d, mind)
                lab = jnp.where(m, c, lab)
            return lab

        def real_step(_, conv):
            cents = tuple(cent_v[c] for c in range(_K))
            for c in range(_K):
                sums_v[c] = jnp.zeros((_L,), dtype=jnp.float32)
                cnts_v[c] = jnp.zeros((_L,), dtype=jnp.float32)

            def point(p, _):
                xv = x_v[p]
                lab = assign(xv, cents)
                plsc.addupdate_scatter(sums_v, [lab, lane], xv)
                plsc.addupdate_scatter(cnts_v, [lab, lane], ones)
                return 0

            lax.fori_loop(0, _N, point, 0)

            allb = None
            for c in range(_K):
                s = sums_v[c]
                n = cnts_v[c]
                nc = jnp.where(n > 0.0, s / jnp.maximum(n, 1.0), cents[c])
                prev_v[c] = cents[c]
                cent_v[c] = nc
                eq = nc == cents[c]
                allb = eq if allb is None else jnp.logical_and(allb, eq)
            return jnp.all(allb)

        def iteration(_, conv):
            trips = jnp.where(conv, 0, 1)
            return lax.fori_loop(0, trips, real_step, conv)

        for c in range(_K):
            cent_v[c] = c0_v[g * _K + c]
        lax.fori_loop(0, _MAX_ITER, iteration, jnp.bool_(False))
        prev = tuple(prev_v[c] for c in range(_K))

        def write_labels(p, _):
            lab_v[p] = assign(x_v[p], prev)
            return 0

        lax.fori_loop(0, _N, write_labels, 0)

    pltpu.sync_copy(lab0_v, lab_hbm.at[wid, 0])


_sc_kmeans = pl.kernel(
    _sc_body,
    out_type=jax.ShapeDtypeStruct((_NW, _G, _N, _L), jnp.int32),
    mesh=plsc.VectorSubcoreMesh(core_axis_name="c", subcore_axis_name="s",
                                num_cores=1, num_subcores=16),
    compiler_params=pltpu.CompilerParams(needs_layout_passes=False,
                                         use_tc_tiling_on_sc=False),
    scratch_types=[
        pltpu.VMEM((_N, _L), jnp.float32),
        pltpu.VMEM((_N, _L), jnp.int32),
        pltpu.VMEM((_G * _K, _L), jnp.float32),
        pltpu.VMEM((_K, _L), jnp.float32),
        pltpu.VMEM((_K, _L), jnp.float32),
        pltpu.VMEM((_K, _L), jnp.float32),
        pltpu.VMEM((_K, _L), jnp.float32),
    ],
)



def _tc_body(x_ref, c0_ref, lab_ref):
    x = x_ref[:, :]
    cent0 = c0_ref[:, :]

    def cond(carry):
        t, _cent, _lab, conv = carry
        return jnp.logical_and(t < _MAX_ITER, jnp.logical_not(conv))

    def step(carry):
        t, cent, _lab, _conv = carry
        mind = jnp.full((_NTC, _N), jnp.inf, dtype=jnp.float32)
        lab = jnp.zeros((_NTC, _N), dtype=jnp.int32)
        for c in range(_K):
            d = jnp.abs(x - cent[:, c:c + 1])
            m = d < mind
            mind = jnp.where(m, d, mind)
            lab = jnp.where(m, c, lab)
        cols = []
        for c in range(_K):
            mc = lab == c
            s = jnp.sum(jnp.where(mc, x, 0.0), axis=1, keepdims=True)
            n = jnp.sum(jnp.where(mc, 1.0, 0.0), axis=1, keepdims=True)
            cols.append(jnp.where(n > 0, s / jnp.maximum(n, 1.0),
                                  cent[:, c:c + 1]))
        new_cent = jnp.concatenate(cols, axis=1)
        conv = jnp.all(new_cent == cent)
        return t + 1, new_cent, lab, conv

    _, _, lab, _ = jax.lax.while_loop(
        cond, step,
        (jnp.int32(0), cent0, jnp.zeros((_NTC, _N), dtype=jnp.int32),
         jnp.bool_(False)))
    lab_ref[:, :] = lab


def _onehot_body(lab_ref, out_ref):
    lab = lab_ref[:, :]
    for c in range(_K):
        out_ref[c, :, :] = (lab == c).astype(jnp.float32)


def kernel(past_values, past_time_features):
    wl = past_time_features[:, :, 1]
    err = past_values[:, :, 1]
    series = jnp.where(wl[:, None, :] == _UNIQUE_WL[None, :, None],
                       err[:, None, :], jnp.float32(0.0))
    x = series.reshape(_NUM, _N)
    cent0 = jnp.take_along_axis(x, jnp.asarray(_PERM), axis=1)

    pad = _NSC_PAD - _NSC
    xs = jnp.concatenate([x[_NTC:], jnp.zeros((pad, _N), jnp.float32)], 0)
    xg = xs.reshape(_NW, _G, _L, _N).transpose(0, 1, 3, 2)
    c0s = jnp.concatenate(
        [cent0[_NTC:], jnp.zeros((pad, _K), jnp.float32)], 0)
    c0g = c0s.reshape(_NW, _G, _L, _K).transpose(0, 1, 3, 2)
    c0g = c0g.reshape(_NW, _G * _K, _L)

    labg = _sc_kmeans(xg, c0g)
    lab_tc = pl.pallas_call(
        _tc_body,
        out_shape=jax.ShapeDtypeStruct((_NTC, _N), jnp.int32),
    )(x[:_NTC], cent0[:_NTC])

    lab_sc = labg.transpose(0, 1, 3, 2).reshape(_NSC_PAD, _N)[:_NSC]
    lab = jnp.concatenate([lab_tc, lab_sc], axis=0)

    out = pl.pallas_call(
        _onehot_body,
        out_shape=jax.ShapeDtypeStruct((_K, _NUM, _N), jnp.float32),
    )(lab)
    return jnp.transpose(out, (1, 0, 2)).astype(bool)

# --- scband reference (transcript-rebuilt; emitter-appended) ---
"""Pipeline reference for scband-clustering-groups-14697378087144 (READ-ONLY COPY).

The authoritative reference and input builder live on the scoring server;
editing this copy changes nothing except your own understanding.
"""

import jax, jax.numpy as jnp
import numpy as np

UNIQUE_WL = jnp.array([3670.69, 4826.85, 6223.24, 7545.98, 8590.9, 9710.28], dtype=jnp.float32)
NCLUSTERS = 7
MAX_ITER = 100


def _kmeans_fit(key, x):
    # x: [300] 1-D series (mirrors KMeansTorch.fit on X=[300,1]); returns labels [300]
    n = x.shape[0]
    k = NCLUSTERS
    perm = jax.random.permutation(key, n)[:k]
    cent0 = x[perm]
    def step(cent, _):
        d = jnp.abs(x[:, None] - cent[None, :])  # cdist in 1-D == abs diff, [300,7]
        labels = jnp.argmin(d, axis=1).astype(jnp.int32)
        sums = jax.ops.segment_sum(x, labels, num_segments=k)
        counts = jax.ops.segment_sum(jnp.ones_like(x), labels, num_segments=k)
        # torch gives NaN for empty clusters; keep previous centroid instead for well-defined output
        new_cent = jnp.where(counts > 0, sums / jnp.maximum(counts, 1.0), cent)
        return new_cent, labels
    _, labels_hist = jax.lax.scan(step, cent0, None, length=MAX_ITER)
    return labels_hist[-1]


def _forward(past_values, past_time_features):
    t = past_time_features[:, :, 0]
    wl = past_time_features[:, :, 1]
    flux = past_values[:, :, 0]
    err = past_values[:, :, 1]
    datas = jnp.stack([t, wl, flux, err], axis=1)  # [B,4,300]
    bool_tensor = wl[:, None, None, :] == UNIQUE_WL[:, None]  # [B,1,6,300]
    float_tensor = datas[:, :, None, :]  # [B,4,1,300]
    datas_by_wl = jnp.where(bool_tensor, float_tensor, jnp.float32(0.0))  # [B,4,6,300]
    w = datas_by_wl[:, 3, :, :]  # [B,6,300] (err channel split by wavelength)
    series = w.reshape(-1, 300)  # [B*6, 300]
    num = series.shape[0]
    keys = jax.random.split(jax.random.key(42), num)
    labels = jax.vmap(_kmeans_fit)(keys, series)  # [num, 300]
    clusters = jax.nn.one_hot(labels, NCLUSTERS, dtype=jnp.float32)  # [num,300,7]
    clusters = jnp.transpose(clusters, (0, 2, 1))  # [num,7,300]
    return clusters


def setup_inputs(seed: int = 0):
    B, S = 128, 300
    key = jax.random.key(seed)
    k1, k2, k3 = jax.random.split(key, 3)
    t = jnp.sort(jax.random.uniform(k1, (B, S), dtype=jnp.float32) * 100.0, axis=1)
    wl_idx = jax.random.randint(k2, (B, S), 0, 6)
    wl = UNIQUE_WL[wl_idx]  # wavelengths drawn exactly from the hardcoded set so equality mask fires
    past_time_features = jnp.stack([t, wl], axis=-1)
    past_values = jax.random.normal(k3, (B, S, 2), dtype=jnp.float32)
    return {"past_values": past_values, "past_time_features": past_time_features}


def reference(past_values, past_time_features):
    return _forward(past_values, past_time_features).astype(bool)

if __name__ == "__main__":
    import jax
    _d = setup_inputs()
    print(jax.jit(kernel)(*tuple(_d.values())))

</pallas_src>

<mosaic_0001>
#map = affine_map<(d0, d1) -> (0, 0, 0, 0)>
#map1 = affine_map<(d0, d1) -> (0, 0, 0)>
module attributes {stable_mosaic.version = 14 : i64} {
  func.func @_sc_body(%arg0: i32, %arg1: i32, %arg2: memref<16x1x300x16xf32, #tpu.memory_space<hbm>>, %arg3: memref<16x7x16xf32, #tpu.memory_space<hbm>>, %arg4: memref<16x1x300x16xi32, #tpu.memory_space<hbm>>, %arg5: memref<300x16xf32, #tpu.memory_space<vmem>>, %arg6: memref<300x16xi32, #tpu.memory_space<vmem>>, %arg7: memref<7x16xf32, #tpu.memory_space<vmem>>, %arg8: memref<7x16xf32, #tpu.memory_space<vmem>>, %arg9: memref<7x16xf32, #tpu.memory_space<vmem>>, %arg10: memref<7x16xf32, #tpu.memory_space<vmem>>, %arg11: memref<7x16xf32, #tpu.memory_space<vmem>>) attributes {dimension_semantics = [#tpu.dimension_semantics<core_parallel>, #tpu.dimension_semantics<subcore_parallel>], iteration_bounds = array<i64: 1, 16>, scalar_prefetch = 0 : i64, scratch_operands = 7 : i64, tpu.core_type = #tpu.core_type<sc_vector_subcore>, window_params = [{transform_indices = #map}, {transform_indices = #map1}, {transform_indices = #map}]} {
    %run_scoped3A = arith.constant 0 : i32
    "tpu.region"() ({
      %run_scoped3A_97 = tpu.sem_alloc : memref<!tpu.dma_semaphore, #tpu.memory_space<semaphore_mem>>
      %dma_start3A = arith.constant 0 : i32
      %dma_start3A_98 = arith.constant 0 : i32
      %dma_start3A_99 = tpu.memref_slice %arg2[%arg1, %run_scoped3A, %dma_start3A, %dma_start3A_98] : memref<16x1x300x16xf32, #tpu.memory_space<hbm>> -> memref<1x1x300x16xf32, #tpu.memory_space<hbm>>
      %dma_start3A_100 = tpu.memref_squeeze %dma_start3A_99 : memref<1x1x300x16xf32, #tpu.memory_space<hbm>> -> memref<300x16xf32, #tpu.memory_space<hbm>>
      %dma_start3A_101 = arith.constant 0 : i32
      %dma_start3A_102 = arith.constant 0 : i32
      %dma_start3A_103 = tpu.memref_slice %arg2[%arg1, %run_scoped3A, %dma_start3A_101, %dma_start3A_102] : memref<16x1x300x16xf32, #tpu.memory_space<hbm>> -> memref<1x1x300x16xf32, #tpu.memory_space<hbm>>
      %dma_start3A_104 = tpu.memref_squeeze %dma_start3A_103 : memref<1x1x300x16xf32, #tpu.memory_space<hbm>> -> memref<300x16xf32, #tpu.memory_space<hbm>>
      tpu.enqueue_dma source(%dma_start3A_104 : memref<300x16xf32, #tpu.memory_space<hbm>>) target(%arg5 : memref<300x16xf32, #tpu.memory_space<vmem>>) target_semaphore(%run_scoped3A_97 : memref<!tpu.dma_semaphore, #tpu.memory_space<semaphore_mem>>)
      %dma_wait3A = arith.constant 0 : i32
      %dma_wait3A_105 = arith.constant 0 : i32
      %dma_wait3A_106 = tpu.memref_slice %arg2[%arg1, %run_scoped3A, %dma_wait3A, %dma_wait3A_105] : memref<16x1x300x16xf32, #tpu.memory_space<hbm>> -> memref<1x1x300x16xf32, #tpu.memory_space<hbm>>
      %dma_wait3A_107 = tpu.memref_squeeze %dma_wait3A_106 : memref<1x1x300x16xf32, #tpu.memory_space<hbm>> -> memref<300x16xf32, #tpu.memory_space<hbm>>
      %dma_wait3A_108 = arith.constant 0 : i32
      %dma_wait3A_109 = arith.constant 0 : i32
      %dma_wait3A_110 = tpu.memref_slice %arg2[%arg1, %run_scoped3A, %dma_wait3A_108, %dma_wait3A_109] : memref<16x1x300x16xf32, #tpu.memory_space<hbm>> -> memref<1x1x300x16xf32, #tpu.memory_space<hbm>>
      %dma_wait3A_111 = tpu.memref_squeeze %dma_wait3A_110 : memref<1x1x300x16xf32, #tpu.memory_space<hbm>> -> memref<300x16xf32, #tpu.memory_space<hbm>>
      tpu.wait_dma2 semaphore(%run_scoped3A_97 : memref<!tpu.dma_semaphore, #tpu.memory_space<semaphore_mem>>) src(%dma_wait3A_111 : memref<300x16xf32, #tpu.memory_space<hbm>>) dst(%arg5 : memref<300x16xf32, #tpu.memory_space<vmem>>)
      tpu.yield
    }) : () -> ()
    "tpu.region"() ({
      %run_scoped3A_97 = tpu.sem_alloc : memref<!tpu.dma_semaphore, #tpu.memory_space<semaphore_mem>>
      %dma_start3A = arith.constant 0 : i32
      %dma_start3A_98 = arith.constant 0 : i32
      %dma_start3A_99 = tpu.memref_slice %arg3[%arg1, %dma_start3A, %dma_start3A_98] : memref<16x7x16xf32, #tpu.memory_space<hbm>> -> memref<1x7x16xf32, #tpu.memory_space<hbm>>
      %dma_start3A_100 = tpu.memref_squeeze %dma_start3A_99 : memref<1x7x16xf32, #tpu.memory_space<hbm>> -> memref<7x16xf32, #tpu.memory_space<hbm>>
      %dma_start3A_101 = arith.constant 0 : i32
      %dma_start3A_102 = arith.constant 0 : i32
      %dma_start3A_103 = tpu.memref_slice %arg3[%arg1, %dma_start3A_101, %dma_start3A_102] : memref<16x7x16xf32, #tpu.memory_space<hbm>> -> memref<1x7x16xf32, #tpu.memory_space<hbm>>
      %dma_start3A_104 = tpu.memref_squeeze %dma_start3A_103 : memref<1x7x16xf32, #tpu.memory_space<hbm>> -> memref<7x16xf32, #tpu.memory_space<hbm>>
      tpu.enqueue_dma source(%dma_start3A_104 : memref<7x16xf32, #tpu.memory_space<hbm>>) target(%arg7 : memref<7x16xf32, #tpu.memory_space<vmem>>) target_semaphore(%run_scoped3A_97 : memref<!tpu.dma_semaphore, #tpu.memory_space<semaphore_mem>>)
      %dma_wait3A = arith.constant 0 : i32
      %dma_wait3A_105 = arith.constant 0 : i32
      %dma_wait3A_106 = tpu.memref_slice %arg3[%arg1, %dma_wait3A, %dma_wait3A_105] : memref<16x7x16xf32, #tpu.memory_space<hbm>> -> memref<1x7x16xf32, #tpu.memory_space<hbm>>
      %dma_wait3A_107 = tpu.memref_squeeze %dma_wait3A_106 : memref<1x7x16xf32, #tpu.memory_space<hbm>> -> memref<7x16xf32, #tpu.memory_space<hbm>>
      %dma_wait3A_108 = arith.constant 0 : i32
      %dma_wait3A_109 = arith.constant 0 : i32
      %dma_wait3A_110 = tpu.memref_slice %arg3[%arg1, %dma_wait3A_108, %dma_wait3A_109] : memref<16x7x16xf32, #tpu.memory_space<hbm>> -> memref<1x7x16xf32, #tpu.memory_space<hbm>>
      %dma_wait3A_111 = tpu.memref_squeeze %dma_wait3A_110 : memref<1x7x16xf32, #tpu.memory_space<hbm>> -> memref<7x16xf32, #tpu.memory_space<hbm>>
      tpu.wait_dma2 semaphore(%run_scoped3A_97 : memref<!tpu.dma_semaphore, #tpu.memory_space<semaphore_mem>>) src(%dma_wait3A_111 : memref<7x16xf32, #tpu.memory_space<hbm>>) dst(%arg7 : memref<7x16xf32, #tpu.memory_space<vmem>>)
      tpu.yield
    }) : () -> ()
    %iota3A = tpu.iota {dimensions = array<i32: 0>} : vector<16xi32>
    %broadcast_in_dim3A = arith.constant 1.000000e+00 : f32
    %broadcast_in_dim3A_0 = vector.broadcast %broadcast_in_dim3A : f32 to vector<16xf32>
    %get3A = arith.constant 0 : i32
    %get3A_1 = arith.index_cast %get3A : i32 to index
    %get3A_2 = arith.constant 0 : index
    %get3A_3 = tpu.vector_load %arg7[%get3A_1, %get3A_2] {strides = array<i32>} : memref<7x16xf32, #tpu.memory_space<vmem>>, vector<16xf32>,
    %swap3A = arith.constant 0 : i32
    %swap3A_4 = arith.index_cast %swap3A : i32 to index
    %swap3A_5 = arith.constant 0 : index
    %swap3A_6 = tpu.vector_load %arg10[%swap3A_4, %swap3A_5] {strides = array<i32>} : memref<7x16xf32, #tpu.memory_space<vmem>>, vector<16xf32>,
    tpu.vector_store %arg10[%swap3A_4, %swap3A_5], %get3A_3 {strides = array<i32>} : memref<7x16xf32, #tpu.memory_space<vmem>>, vector<16xf32>,
    %get3A_7 = arith.constant 1 : i32
    %get3A_8 = arith.index_cast %get3A_7 : i32 to index
    %get3A_9 = arith.constant 0 : index
    %get3A_10 = tpu.vector_load %arg7[%get3A_8, %get3A_9] {strides = array<i32>} : memref<7x16xf32, #tpu.memory_space<vmem>>, vector<16xf32>,
    %swap3A_11 = arith.constant 1 : i32
    %swap3A_12 = arith.index_cast %swap3A_11 : i32 to index
    %swap3A_13 = arith.constant 0 : index
    %swap3A_14 = tpu.vector_load %arg10[%swap3A_12, %swap3A_13] {strides = array<i32>} : memref<7x16xf32, #tpu.memory_space<vmem>>, vector<16xf32>,
    tpu.vector_store %arg10[%swap3A_12, %swap3A_13], %get3A_10 {strides = array<i32>} : memref<7x16xf32, #tpu.memory_space<vmem>>, vector<16xf32>,
    %get3A_15 = arith.constant 2 : i32
    %get3A_16 = arith.index_cast %get3A_15 : i32 to index
    %get3A_17 = arith.constant 0 : index
    %get3A_18 = tpu.vector_load %arg7[%get3A_16, %get3A_17] {strides = array<i32>} : memref<7x16xf32, #tpu.memory_space<vmem>>, vector<16xf32>,
    %swap3A_19 = arith.constant 2 : i32
    %swap3A_20 = arith.index_cast %swap3A_19 : i32 to index
    %swap3A_21 = arith.constant 0 : index
    %swap3A_22 = tpu.vector_load %arg10[%swap3A_20, %swap3A_21] {strides = array<i32>} : memref<7x16xf32, #tpu.memory_space<vmem>>, vector<16xf32>,
    tpu.vector_store %arg10[%swap3A_20, %swap3A_21], %get3A_18 {strides = array<i32>} : memref<7x16xf32, #tpu.memory_space<vmem>>, vector<16xf32>,
    %get3A_23 = arith.constant 3 : i32
    %get3A_24 = arith.index_cast %get3A_23 : i32 to index
    %get3A_25 = arith.constant 0 : index
    %get3A_26 = tpu.vector_load %arg7[%get3A_24, %get3A_25] {strides = array<i32>} : memref<7x16xf32, #tpu.memory_space<vmem>>, vector<16xf32>,
    %swap3A_27 = arith.constant 3 : i32
    %swap3A_28 = arith.index_cast %swap3A_27 : i32 to index
    %swap3A_29 = arith.constant 0 : index
    %swap3A_30 = tpu.vector_load %arg10[%swap3A_28, %swap3A_29] {strides = array<i32>} : memref<7x16xf32, #tpu.memory_space<vmem>>, vector<16xf32>,
    tpu.vector_store %arg10[%swap3A_28, %swap3A_29], %get3A_26 {strides = array<i32>} : memref<7x16xf32, #tpu.memory_space<vmem>>, vector<16xf32>,
    %get3A_31 = arith.constant 4 : i32
    %get3A_32 = arith.index_cast %get3A_31 : i32 to index
    %get3A_33 = arith.constant 0 : index
    %get3A_34 = tpu.vector_load %arg7[%get3A_32, %get3A_33] {strides = array<i32>} : memref<7x16xf32, #tpu.memory_space<vmem>>, vector<16xf32>,
    %swap3A_35 = arith.constant 4 : i32
    %swap3A_36 = arith.index_cast %swap3A_35 : i32 to index
    %swap3A_37 = arith.constant 0 : index
    %swap3A_38 = tpu.vector_load %arg10[%swap3A_36, %swap3A_37] {strides = array<i32>} : memref<7x16xf32, #tpu.memory_space<vmem>>, vector<16xf32>,
    tpu.vector_store %arg10[%swap3A_36, %swap3A_37], %get3A_34 {strides = array<i32>} : memref<7x16xf32, #tpu.memory_space<vmem>>, vector<16xf32>,
    %get3A_39 = arith.constant 5 : i32
    %get3A_40 = arith.index_cast %get3A_39 : i32 to index
    %get3A_41 = arith.constant 0 : index
    %get3A_42 = tpu.vector_load %arg7[%get3A_40, %get3A_41] {strides = array<i32>} : memref<7x16xf32, #tpu.memory_space<vmem>>, vector<16xf32>,
    %swap3A_43 = arith.constant 5 : i32
    %swap3A_44 = arith.index_cast %swap3A_43 : i32 to index
    %swap3A_45 = arith.constant 0 : index
    %swap3A_46 = tpu.vector_load %arg10[%swap3A_44, %swap3A_45] {strides = array<i32>} : memref<7x16xf32, #tpu.memory_space<vmem>>, vector<16xf32>,
    tpu.vector_store %arg10[%swap3A_44, %swap3A_45], %get3A_42 {strides = array<i32>} : memref<7x16xf32, #tpu.memory_space<vmem>>, vector<16xf32>,
    %get3A_47 = arith.constant 6 : i32
    %get3A_48 = arith.index_cast %get3A_47 : i32 to index
    %get3A_49 = arith.constant 0 : index
    %get3A_50 = tpu.vector_load %arg7[%get3A_48, %get3A_49] {strides = array<i32>} : memref<7x16xf32, #tpu.memory_space<vmem>>, vector<16xf32>,
    %swap3A_51 = arith.constant 6 : i32
    %swap3A_52 = arith.index_cast %swap3A_51 : i32 to index
    %swap3A_53 = arith.constant 0 : index
    %swap3A_54 = tpu.vector_load %arg10[%swap3A_52, %swap3A_53] {strides = array<i32>} : memref<7x16xf32, #tpu.memory_space<vmem>>, vector<16xf32>,
    tpu.vector_store %arg10[%swap3A_52, %swap3A_53], %get3A_50 {strides = array<i32>} : memref<7x16xf32, #tpu.memory_space<vmem>>, vector<16xf32>,
    %scan3A = arith.constant false
    %scan3A_55 = arith.constant 0 : i32
    %scan3A_56 = arith.constant 100 : i32
    %scan3A_57 = arith.addi %scan3A_55, %scan3A_56 : i32
    %scan3A_58 = arith.constant 1 : i32
    %scan3A_59 = scf.for %scan3A_97 = %scan3A_55 to %scan3A_57 step %scan3A_58 iter_args(%scan3A_98 = %scan3A) -> (i1)  : i32 {
      %jit3A = arith.constant 0 : i32
      %jit3A_99 = arith.constant 1 : i32
      %select_n3A = arith.select %scan3A_98, %jit3A, %jit3A_99 : i32
      %while3A = arith.constant 0 : i32
      %while3A_100 = arith.subi %select_n3A, %while3A : i32
      %while3A_101 = arith.addi %while3A, %while3A_100 : i32
      %while3A_102 = arith.constant 1 : i32
      %while3A_103 = arith.divsi %while3A_100, %while3A_102 : i32
      %while3A_104 = arith.muli %while3A_103, %while3A_102 : i32
      %while3A_105 = arith.addi %while3A, %while3A_104 : i32
      %while3A_106 = arith.constant 1 : i32
      %while3A_107 = scf.for %while3A_110 = %while3A to %while3A_105 step %while3A_106 iter_args(%while3A_111 = %scan3A_98) -> (i1)  : i32 {
        %get3A_112 = arith.constant 0 : i32
        %get3A_113 = arith.index_cast %get3A_112 : i32 to index
        %get3A_114 = arith.constant 0 : index
        %get3A_115 = tpu.vector_load %arg10[%get3A_113, %get3A_114] {strides = array<i32>} : memref<7x16xf32, #tpu.memory_space<vmem>>, vector<16xf32>,
        %get3A_116 = arith.constant 1 : i32
        %get3A_117 = arith.index_cast %get3A_116 : i32 to index
        %get3A_118 = arith.constant 0 : index
        %get3A_119 = tpu.vector_load %arg10[%get3A_117, %get3A_118] {strides = array<i32>} : memref<7x16xf32, #tpu.memory_space<vmem>>, vector<16xf32>,
        %get3A_120 = arith.constant 2 : i32
        %get3A_121 = arith.index_cast %get3A_120 : i32 to index
        %get3A_122 = arith.constant 0 : index
        %get3A_123 = tpu.vector_load %arg10[%get3A_121, %get3A_122] {strides = array<i32>} : memref<7x16xf32, #tpu.memory_space<vmem>>, vector<16xf32>,
        %get3A_124 = arith.constant 3 : i32
        %get3A_125 = arith.index_cast %get3A_124 : i32 to index
        %get3A_126 = arith.constant 0 : index
        %get3A_127 = tpu.vector_load %arg10[%get3A_125, %get3A_126] {strides = array<i32>} : memref<7x16xf32, #tpu.memory_space<vmem>>, vector<16xf32>,
        %get3A_128 = arith.constant 4 : i32
        %get3A_129 = arith.index_cast %get3A_128 : i32 to index
        %get3A_130 = arith.constant 0 : index
        %get3A_131 = tpu.vector_load %arg10[%get3A_129, %get3A_130] {strides = array<i32>} : memref<7x16xf32, #tpu.memory_space<vmem>>, vector<16xf32>,
        %get3A_132 = arith.constant 5 : i32
        %get3A_133 = arith.index_cast %get3A_132 : i32 to index
        %get3A_134 = arith.constant 0 : index
        %get3A_135 = tpu.vector_load %arg10[%get3A_133, %get3A_134] {strides = array<i32>} : memref<7x16xf32, #tpu.memory_space<vmem>>, vector<16xf32>,
        %get3A_136 = arith.constant 6 : i32
        %get3A_137 = arith.index_cast %get3A_136 : i32 to index
        %get3A_138 = arith.constant 0 : index
        %get3A_139 = tpu.vector_load %arg10[%get3A_137, %get3A_138] {strides = array<i32>} : memref<7x16xf32, #tpu.memory_space<vmem>>, vector<16xf32>,
        %broadcast_in_dim3A_140 = arith.constant 0.000000e+00 : f32
        %broadcast_in_dim3A_141 = vector.broadcast %broadcast_in_dim3A_140 : f32 to vector<16xf32>
        %swap3A_142 = arith.constant 0 : i32
        %swap3A_143 = arith.index_cast %swap3A_142 : i32 to index
        %swap3A_144 = arith.constant 0 : index
        %swap3A_145 = tpu.vector_load %arg8[%swap3A_143, %swap3A_144] {strides = array<i32>} : memref<7x16xf32, #tpu.memory_space<vmem>>, vector<16xf32>,
        tpu.vector_store %arg8[%swap3A_143, %swap3A_144], %broadcast_in_dim3A_141 {strides = array<i32>} : memref<7x16xf32, #tpu.memory_space<vmem>>, vector<16xf32>,
        %broadcast_in_dim3A_146 = arith.constant 0.000000e+00 : f32
        %broadcast_in_dim3A_147 = vector.broadcast %broadcast_in_dim3A_146 : f32 to vector<16xf32>
        %swap3A_148 = arith.constant 0 : i32
        %swap3A_149 = arith.index_cast %swap3A_148 : i32 to index
        %swap3A_150 = arith.constant 0 : index
        %swap3A_151 = tpu.vector_load %arg9[%swap3A_149, %swap3A_150] {strides = array<i32>} : memref<7x16xf32, #tpu.memory_space<vmem>>, vector<16xf32>,
        tpu.vector_store %arg9[%swap3A_149, %swap3A_150], %broadcast_in_dim3A_147 {strides = array<i32>} : memref<7x16xf32, #tpu.memory_space<vmem>>, vector<16xf32>,
        %broadcast_in_dim3A_152 = arith.constant 0.000000e+00 : f32
        %broadcast_in_dim3A_153 = vector.broadcast %broadcast_in_dim3A_152 : f32 to vector<16xf32>
        %swap3A_154 = arith.constant 1 : i32
        %swap3A_155 = arith.index_cast %swap3A_154 : i32 to index
        %swap3A_156 = arith.constant 0 : index
        %swap3A_157 = tpu.vector_load %arg8[%swap3A_155, %swap3A_156] {strides = array<i32>} : memref<7x16xf32, #tpu.memory_space<vmem>>, vector<16xf32>,
        tpu.vector_store %arg8[%swap3A_155, %swap3A_156], %broadcast_in_dim3A_153 {strides = array<i32>} : memref<7x16xf32, #tpu.memory_space<vmem>>, vector<16xf32>,
        %broadcast_in_dim3A_158 = arith.constant 0.000000e+00 : f32
        %broadcast_in_dim3A_159 = vector.broadcast %broadcast_in_dim3A_158 : f32 to vector<16xf32>
        %swap3A_160 = arith.constant 1 : i32
        %swap3A_161 = arith.index_cast %swap3A_160 : i32 to index
        %swap3A_162 = arith.constant 0 : index
        %swap3A_163 = tpu.vector_load %arg9[%swap3A_161, %swap3A_162] {strides = array<i32>} : memref<7x16xf32, #tpu.memory_space<vmem>>, vector<16xf32>,
        tpu.vector_store %arg9[%swap3A_161, %swap3A_162], %broadcast_in_dim3A_159 {strides = array<i32>} : memref<7x16xf32, #tpu.memory_space<vmem>>, vector<16xf32>,
        %broadcast_in_dim3A_164 = arith.constant 0.000000e+00 : f32
        %broadcast_in_dim3A_165 = vector.broadcast %broadcast_in_dim3A_164 : f32 to vector<16xf32>
        %swap3A_166 = arith.constant 2 : i32
        %swap3A_167 = arith.index_cast %swap3A_166 : i32 to index
        %swap3A_168 = arith.constant 0 : index
        %swap3A_169 = tpu.vector_load %arg8[%swap3A_167, %swap3A_168] {strides = array<i32>} : memref<7x16xf32, #tpu.memory_space<vmem>>, vector<16xf32>,
        tpu.vector_store %arg8[%swap3A_167, %swap3A_168], %broadcast_in_dim3A_165 {strides = array<i32>} : memref<7x16xf32, #tpu.memory_space<vmem>>, vector<16xf32>,
        %broadcast_in_dim3A_170 = arith.constant 0.000000e+00 : f32
        %broadcast_in_dim3A_171 = vector.broadcast %broadcast_in_dim3A_170 : f32 to vector<16xf32>
        %swap3A_172 = arith.constant 2 : i32
        %swap3A_173 = arith.index_cast %swap3A_172 : i32 to index
        %swap3A_174 = arith.constant 0 : index
        %swap3A_175 = tpu.vector_load %arg9[%swap3A_173, %swap3A_174] {strides = array<i32>} : memref<7x16xf32, #tpu.memory_space<vmem>>, vector<16xf32>,
        tpu.vector_store %arg9[%swap3A_173, %swap3A_174], %broadcast_in_dim3A_171 {strides = array<i32>} : memref<7x16xf32, #tpu.memory_space<vmem>>, vector<16xf32>,
        %broadcast_in_dim3A_176 = arith.constant 0.000000e+00 : f32
        %broadcast_in_dim3A_177 = vector.broadcast %broadcast_in_dim3A_176 : f32 to vector<16xf32>
        %swap3A_178 = arith.constant 3 : i32
        %swap3A_179 = arith.index_cast %swap3A_178 : i32 to index
        %swap3A_180 = arith.constant 0 : index
        %swap3A_181 = tpu.vector_load %arg8[%swap3A_179, %swap3A_180] {strides = array<i32>} : memref<7x16xf32, #tpu.memory_space<vmem>>, vector<16xf32>,
        tpu.vector_store %arg8[%swap3A_179, %swap3A_180], %broadcast_in_dim3A_177 {strides = array<i32>} : memref<7x16xf32, #tpu.memory_space<vmem>>, vector<16xf32>,
        %broadcast_in_dim3A_182 = arith.constant 0.000000e+00 : f32
        %broadcast_in_dim3A_183 = vector.broadcast %broadcast_in_dim3A_182 : f32 to vector<16xf32>
        %swap3A_184 = arith.constant 3 : i32
        %swap3A_185 = arith.index_cast %swap3A_184 : i32 to index
        %swap3A_186 = arith.constant 0 : index
        %swap3A_187 = tpu.vector_load %arg9[%swap3A_185, %swap3A_186] {strides = array<i32>} : memref<7x16xf32, #tpu.memory_space<vmem>>, vector<16xf32>,
        tpu.vector_store %arg9[%swap3A_185, %swap3A_186], %broadcast_in_dim3A_183 {strides = array<i32>} : memref<7x16xf32, #tpu.memory_space<vmem>>, vector<16xf32>,
        %broadcast_in_dim3A_188 = arith.constant 0.000000e+00 : f32
        %broadcast_in_dim3A_189 = vector.broadcast %broadcast_in_dim3A_188 : f32 to vector<16xf32>
        %swap3A_190 = arith.constant 4 : i32
        %swap3A_191 = arith.index_cast %swap3A_190 : i32 to index
        %swap3A_192 = arith.constant 0 : index
        %swap3A_193 = tpu.vector_load %arg8[%swap3A_191, %swap3A_192] {strides = array<i32>} : memref<7x16xf32, #tpu.memory_space<vmem>>, vector<16xf32>,
        tpu.vector_store %arg8[%swap3A_191, %swap3A_192], %broadcast_in_dim3A_189 {strides = array<i32>} : memref<7x16xf32, #tpu.memory_space<vmem>>, vector<16xf32>,
        %broadcast_in_dim3A_194 = arith.constant 0.000000e+00 : f32
        %broadcast_in_dim3A_195 = vector.broadcast %broadcast_in_dim3A_194 : f32 to vector<16xf32>
        %swap3A_196 = arith.constant 4 : i32
        %swap3A_197 = arith.index_cast %swap3A_196 : i32 to index
        %swap3A_198 = arith.constant 0 : index
        %swap3A_199 = tpu.vector_load %arg9[%swap3A_197, %swap3A_198] {strides = array<i32>} : memref<7x16xf32, #tpu.memory_space<vmem>>, vector<16xf32>,
        tpu.vector_store %arg9[%swap3A_197, %swap3A_198], %broadcast_in_dim3A_195 {strides = array<i32>} : memref<7x16xf32, #tpu.memory_space<vmem>>, vector<16xf32>,
        %broadcast_in_dim3A_200 = arith.constant 0.000000e+00 : f32
        %broadcast_in_dim3A_201 = vector.broadcast %broadcast_in_dim3A_200 : f32 to vector<16xf32>
        %swap3A_202 = arith.constant 5 : i32
        %swap3A_203 = arith.index_cast %swap3A_202 : i32 to index
        %swap3A_204 = arith.constant 0 : index
        %swap3A_205 = tpu.vector_load %arg8[%swap3A_203, %swap3A_204] {strides = array<i32>} : memref<7x16xf32, #tpu.memory_space<vmem>>, vector<16xf32>,
        tpu.vector_store %arg8[%swap3A_203, %swap3A_204], %broadcast_in_dim3A_201 {strides = array<i32>} : memref<7x16xf32, #tpu.memory_space<vmem>>, vector<16xf32>,
        %broadcast_in_dim3A_206 = arith.constant 0.000000e+00 : f32
        %broadcast_in_dim3A_207 = vector.broadcast %broadcast_in_dim3A_206 : f32 to vector<16xf32>
        %swap3A_208 = arith.constant 5 : i32
        %swap3A_209 = arith.index_cast %swap3A_208 : i32 to index
        %swap3A_210 = arith.constant 0 : index
        %swap3A_211 = tpu.vector_load %arg9[%swap3A_209, %swap3A_210] {strides = array<i32>} : memref<7x16xf32, #tpu.memory_space<vmem>>, vector<16xf32>,
        tpu.vector_store %arg9[%swap3A_209, %swap3A_210], %broadcast_in_dim3A_207 {strides = array<i32>} : memref<7x16xf32, #tpu.memory_space<vmem>>, vector<16xf32>,
        %broadcast_in_dim3A_212 = arith.constant 0.000000e+00 : f32
        %broadcast_in_dim3A_213 = vector.broadcast %broadcast_in_dim3A_212 : f32 to vector<16xf32>
        %swap3A_214 = arith.constant 6 : i32
        %swap3A_215 = arith.index_cast %swap3A_214 : i32 to index
        %swap3A_216 = arith.constant 0 : index
        %swap3A_217 = tpu.vector_load %arg8[%swap3A_215, %swap3A_216] {strides = array<i32>} : memref<7x16xf32, #tpu.memory_space<vmem>>, vector<16xf32>,
        tpu.vector_store %arg8[%swap3A_215, %swap3A_216], %broadcast_in_dim3A_213 {strides = array<i32>} : memref<7x16xf32, #tpu.memory_space<vmem>>, vector<16xf32>,
        %broadcast_in_dim3A_218 = arith.constant 0.000000e+00 : f32
        %broadcast_in_dim3A_219 = vector.broadcast %broadcast_in_dim3A_218 : f32 to vector<16xf32>
        %swap3A_220 = arith.constant 6 : i32
        %swap3A_221 = arith.index_cast %swap3A_220 : i32 to index
        %swap3A_222 = arith.constant 0 : index
        %swap3A_223 = tpu.vector_load %arg9[%swap3A_221, %swap3A_222] {strides = array<i32>} : memref<7x16xf32, #tpu.memory_space<vmem>>, vector<16xf32>,
        tpu.vector_store %arg9[%swap3A_221, %swap3A_222], %broadcast_in_dim3A_219 {strides = array<i32>} : memref<7x16xf32, #tpu.memory_space<vmem>>, vector<16xf32>,
        %scan3A_224 = arith.constant 0 : i32
        %scan3A_225 = arith.constant 0 : i32
        %scan3A_226 = arith.constant 300 : i32
        %scan3A_227 = arith.addi %scan3A_225, %scan3A_226 : i32
        %scan3A_228 = arith.constant 1 : i32
        %scan3A_229 = scf.for %scan3A_417 = %scan3A_225 to %scan3A_227 step %scan3A_228 iter_args(%scan3A_418 = %scan3A_224) -> (i32)  : i32 {
          %get3A_419 = arith.index_cast %scan3A_417 : i32 to index
          %get3A_420 = arith.constant 0 : index
          %get3A_421 = tpu.vector_load %arg5[%get3A_419, %get3A_420] {strides = array<i32>} : memref<300x16xf32, #tpu.memory_space<vmem>>, vector<16xf32>,
          %sub3A = arith.subf %get3A_421, %get3A_115 : vector<16xf32>
          %abs3A = math.absf %sub3A : vector<16xf32>
          %broadcast_in_dim3A_422 = arith.constant 0 : i32
          %broadcast_in_dim3A_423 = vector.broadcast %broadcast_in_dim3A_422 : i32 to vector<16xi32>
          %sub3A_424 = arith.subf %get3A_421, %get3A_119 : vector<16xf32>
          %abs3A_425 = math.absf %sub3A_424 : vector<16xf32>
          %lt3A = arith.cmpf olt, %abs3A_425, %abs3A : vector<16xf32>
          %select_n3A_426 = arith.select %lt3A, %abs3A_425, %abs3A : vector<16xi1>, vector<16xf32>
          %jit3A_427 = arith.constant 1 : i32
          %broadcast_in_dim3A_428 = vector.broadcast %jit3A_427 : i32 to vector<16xi32>
          %select_n3A_429 = arith.select %lt3A, %broadcast_in_dim3A_428, %broadcast_in_dim3A_423 : vector<16xi1>, vector<16xi32>
          %sub3A_430 = arith.subf %get3A_421, %get3A_123 : vector<16xf32>
          %abs3A_431 = math.absf %sub3A_430 : vector<16xf32>
          %lt3A_432 = arith.cmpf olt, %abs3A_431, %select_n3A_426 : vector<16xf32>
          %select_n3A_433 = arith.select %lt3A_432, %abs3A_431, %select_n3A_426 : vector<16xi1>, vector<16xf32>
          %jit3A_434 = arith.constant 2 : i32
          %broadcast_in_dim3A_435 = vector.broadcast %jit3A_434 : i32 to vector<16xi32>
          %select_n3A_436 = arith.select %lt3A_432, %broadcast_in_dim3A_435, %select_n3A_429 : vector<16xi1>, vector<16xi32>
          %sub3A_437 = arith.subf %get3A_421, %get3A_127 : vector<16xf32>
          %abs3A_438 = math.absf %sub3A_437 : vector<16xf32>
          %lt3A_439 = arith.cmpf olt, %abs3A_438, %select_n3A_433 : vector<16xf32>
          %select_n3A_440 = arith.select %lt3A_439, %abs3A_438, %select_n3A_433 : vector<16xi1>, vector<16xf32>
          %jit3A_441 = arith.constant 3 : i32
          %broadcast_in_dim3A_442 = vector.broadcast %jit3A_441 : i32 to vector<16xi32>
          %select_n3A_443 = arith.select %lt3A_439, %broadcast_in_dim3A_442, %select_n3A_436 : vector<16xi1>, vector<16xi32>
          %sub3A_444 = arith.subf %get3A_421, %get3A_131 : vector<16xf32>
          %abs3A_445 = math.absf %sub3A_444 : vector<16xf32>
          %lt3A_446 = arith.cmpf olt, %abs3A_445, %select_n3A_440 : vector<16xf32>
          %select_n3A_447 = arith.select %lt3A_446, %abs3A_445, %select_n3A_440 : vector<16xi1>, vector<16xf32>
          %jit3A_448 = arith.constant 4 : i32
          %broadcast_in_dim3A_449 = vector.broadcast %jit3A_448 : i32 to vector<16xi32>
          %select_n3A_450 = arith.select %lt3A_446, %broadcast_in_dim3A_449, %select_n3A_443 : vector<16xi1>, vector<16xi32>
          %sub3A_451 = arith.subf %get3A_421, %get3A_135 : vector<16xf32>
          %abs3A_452 = math.absf %sub3A_451 : vector<16xf32>
          %lt3A_453 = arith.cmpf olt, %abs3A_452, %select_n3A_447 : vector<16xf32>
          %select_n3A_454 = arith.select %lt3A_453, %abs3A_452, %select_n3A_447 : vector<16xi1>, vector<16xf32>
          %jit3A_455 = arith.constant 5 : i32
          %broadcast_in_dim3A_456 = vector.broadcast %jit3A_455 : i32 to vector<16xi32>
          %select_n3A_457 = arith.select %lt3A_453, %broadcast_in_dim3A_456, %select_n3A_450 : vector<16xi1>, vector<16xi32>
          %sub3A_458 = arith.subf %get3A_421, %get3A_139 : vector<16xf32>
          %abs3A_459 = math.absf %sub3A_458 : vector<16xf32>
          %lt3A_460 = arith.cmpf olt, %abs3A_459, %select_n3A_454 : vector<16xf32>
          %select_n3A_461 = arith.select %lt3A_460, %abs3A_459, %select_n3A_454 : vector<16xi1>, vector<16xf32>
          %jit3A_462 = arith.constant 6 : i32
          %broadcast_in_dim3A_463 = vector.broadcast %jit3A_462 : i32 to vector<16xi32>
          %select_n3A_464 = arith.select %lt3A_460, %broadcast_in_dim3A_463, %select_n3A_457 : vector<16xi1>, vector<16xi32>
          tpu.vector_store_idx %arg8[%select_n3A_464, %iota3A], %get3A_421 {add = true} : memref<7x16xf32, #tpu.memory_space<vmem>>[vector<16xi32>, vector<16xi32>], vector<16xf32>,
          tpu.vector_store_idx %arg9[%select_n3A_464, %iota3A], %broadcast_in_dim3A_0 {add = true} : memref<7x16xf32, #tpu.memory_space<vmem>>[vector<16xi32>, vector<16xi32>], vector<16xf32>,
          %scan3A_465 = arith.constant 0 : i32
          scf.yield %scan3A_465 : i32
        }
        %scan3A_230 = arith.constant 300 : i32
        %get3A_231 = arith.constant 0 : i32
        %get3A_232 = arith.index_cast %get3A_231 : i32 to index
        %get3A_233 = arith.constant 0 : index
        %get3A_234 = tpu.vector_load %arg8[%get3A_232, %get3A_233] {strides = array<i32>} : memref<7x16xf32, #tpu.memory_space<vmem>>, vector<16xf32>,
        %get3A_235 = arith.constant 0 : i32
        %get3A_236 = arith.index_cast %get3A_235 : i32 to index
        %get3A_237 = arith.constant 0 : index
        %get3A_238 = tpu.vector_load %arg9[%get3A_236, %get3A_237] {strides = array<i32>} : memref<7x16xf32, #tpu.memory_space<vmem>>, vector<16xf32>,
        %gt3A = arith.constant 0.000000e+00 : f32
        %gt3A_239 = vector.broadcast %gt3A : f32 to vector<16xf32>
        %gt3A_240 = arith.cmpf ogt, %get3A_238, %gt3A_239 : vector<16xf32>
        %max3A = arith.constant 1.000000e+00 : f32
        %max3A_241 = vector.broadcast %max3A : f32 to vector<16xf32>
        %max3A_242 = arith.maximumf %get3A_238, %max3A_241 : vector<16xf32>
        %div3A = arith.divf %get3A_234, %max3A_242 : vector<16xf32>
        %select_n3A_243 = arith.select %gt3A_240, %div3A, %get3A_115 : vector<16xi1>, vector<16xf32>
        %swap3A_244 = arith.constant 0 : i32
        %swap3A_245 = arith.index_cast %swap3A_244 : i32 to index
        %swap3A_246 = arith.constant 0 : index
        %swap3A_247 = tpu.vector_load %arg11[%swap3A_245, %swap3A_246] {strides = array<i32>} : memref<7x16xf32, #tpu.memory_space<vmem>>, vector<16xf32>,
        tpu.vector_store %arg11[%swap3A_245, %swap3A_246], %get3A_115 {strides = array<i32>} : memref<7x16xf32, #tpu.memory_space<vmem>>, vector<16xf32>,
        %swap3A_248 = arith.constant 0 : i32
        %swap3A_249 = arith.index_cast %swap3A_248 : i32 to index
        %swap3A_250 = arith.constant 0 : index
        %swap3A_251 = tpu.vector_load %arg10[%swap3A_249, %swap3A_250] {strides = array<i32>} : memref<7x16xf32, #tpu.memory_space<vmem>>, vector<16xf32>,
        tpu.vector_store %arg10[%swap3A_249, %swap3A_250], %select_n3A_243 {strides = array<i32>} : memref<7x16xf32, #tpu.memory_space<vmem>>, vector<16xf32>,
        %eq3A = arith.cmpf oeq, %select_n3A_243, %get3A_115 : vector<16xf32>
        %get3A_252 = arith.constant 1 : i32
        %get3A_253 = arith.index_cast %get3A_252 : i32 to index
        %get3A_254 = arith.constant 0 : index
        %get3A_255 = tpu.vector_load %arg8[%get3A_253, %get3A_254] {strides = array<i32>} : memref<7x16xf32, #tpu.memory_space<vmem>>, vector<16xf32>,
        %get3A_256 = arith.constant 1 : i32
        %get3A_257 = arith.index_cast %get3A_256 : i32 to index
        %get3A_258 = arith.constant 0 : index
        %get3A_259 = tpu.vector_load %arg9[%get3A_257, %get3A_258] {strides = array<i32>} : memref<7x16xf32, #tpu.memory_space<vmem>>, vector<16xf32>,
        %gt3A_260 = arith.constant 0.000000e+00 : f32
        %gt3A_261 = vector.broadcast %gt3A_260 : f32 to vector<16xf32>
        %gt3A_262 = arith.cmpf ogt, %get3A_259, %gt3A_261 : vector<16xf32>
        %max3A_263 = arith.constant 1.000000e+00 : f32
        %max3A_264 = vector.broadcast %max3A_263 : f32 to vector<16xf32>
        %max3A_265 = arith.maximumf %get3A_259, %max3A_264 : vector<16xf32>
        %div3A_266 = arith.divf %get3A_255, %max3A_265 : vector<16xf32>
        %select_n3A_267 = arith.select %gt3A_262, %div3A_266, %get3A_119 : vector<16xi1>, vector<16xf32>
        %swap3A_268 = arith.constant 1 : i32
        %swap3A_269 = arith.index_cast %swap3A_268 : i32 to index
        %swap3A_270 = arith.constant 0 : index
        %swap3A_271 = tpu.vector_load %arg11[%swap3A_269, %swap3A_270] {strides = array<i32>} : memref<7x16xf32, #tpu.memory_space<vmem>>, vector<16xf32>,
        tpu.vector_store %arg11[%swap3A_269, %swap3A_270], %get3A_119 {strides = array<i32>} : memref<7x16xf32, #tpu.memory_space<vmem>>, vector<16xf32>,
        %swap3A_272 = arith.constant 1 : i32
        %swap3A_273 = arith.index_cast %swap3A_272 : i32 to index
        %swap3A_274 = arith.constant 0 : index
        %swap3A_275 = tpu.vector_load %arg10[%swap3A_273, %swap3A_274] {strides = array<i32>} : memref<7x16xf32, #tpu.memory_space<vmem>>, vector<16xf32>,
        tpu.vector_store %arg10[%swap3A_273, %swap3A_274], %select_n3A_267 {strides = array<i32>} : memref<7x16xf32, #tpu.memory_space<vmem>>, vector<16xf32>,
        %eq3A_276 = arith.cmpf oeq, %select_n3A_267, %get3A_119 : vector<16xf32>
        %and3A = arith.andi %eq3A, %eq3A_276 : vector<16xi1>
        %get3A_277 = arith.constant 2 : i32
        %get3A_278 = arith.index_cast %get3A_277 : i32 to index
        %get3A_279 = arith.constant 0 : index
        %get3A_280 = tpu.vector_load %arg8[%get3A_278, %get3A_279] {strides = array<i32>} : memref<7x16xf32, #tpu.memory_space<vmem>>, vector<16xf32>,
        %get3A_281 = arith.constant 2 : i32
        %get3A_282 = arith.index_cast %get3A_281 : i32 to index
        %get3A_283 = arith.constant 0 : index
        %get3A_284 = tpu.vector_load %arg9[%get3A_282, %get3A_283] {strides = array<i32>} : memref<7x16xf32, #tpu.memory_space<vmem>>, vector<16xf32>,
        %gt3A_285 = arith.constant 0.000000e+00 : f32
        %gt3A_286 = vector.broadcast %gt3A_285 : f32 to vector<16xf32>
        %gt3A_287 = arith.cmpf ogt, %get3A_284, %gt3A_286 : vector<16xf32>
        %max3A_288 = arith.constant 1.000000e+00 : f32
        %max3A_289 = vector.broadcast %max3A_288 : f32 to vector<16xf32>
        %max3A_290 = arith.maximumf %get3A_284, %max3A_289 : vector<16xf32>
        %div3A_291 = arith.divf %get3A_280, %max3A_290 : vector<16xf32>
        %select_n3A_292 = arith.select %gt3A_287, %div3A_291, %get3A_123 : vector<16xi1>, vector<16xf32>
        %swap3A_293 = arith.constant 2 : i32
        %swap3A_294 = arith.index_cast %swap3A_293 : i32 to index
        %swap3A_295 = arith.constant 0 : index
        %swap3A_296 = tpu.vector_load %arg11[%swap3A_294, %swap3A_295] {strides = array<i32>} : memref<7x16xf32, #tpu.memory_space<vmem>>, vector<16xf32>,
        tpu.vector_store %arg11[%swap3A_294, %swap3A_295], %get3A_123 {strides = array<i32>} : memref<7x16xf32, #tpu.memory_space<vmem>>, vector<16xf32>,
        %swap3A_297 = arith.constant 2 : i32
        %swap3A_298 = arith.index_cast %swap3A_297 : i32 to index
        %swap3A_299 = arith.constant 0 : index
        %swap3A_300 = tpu.vector_load %arg10[%swap3A_298, %swap3A_299] {strides = array<i32>} : memref<7x16xf32, #tpu.memory_space<vmem>>, vector<16xf32>,
        tpu.vector_store %arg10[%swap3A_298, %swap3A_299], %select_n3A_292 {strides = array<i32>} : memref<7x16xf32, #tpu.memory_space<vmem>>, vector<16xf32>,
        %eq3A_301 = arith.cmpf oeq, %select_n3A_292, %get3A_123 : vector<16xf32>
        %and3A_302 = arith.andi %and3A, %eq3A_301 : vector<16xi1>
        %get3A_303 = arith.constant 3 : i32
        %get3A_304 = arith.index_cast %get3A_303 : i32 to index
        %get3A_305 = arith.constant 0 : index
        %get3A_306 = tpu.vector_load %arg8[%get3A_304, %get3A_305] {strides = array<i32>} : memref<7x16xf32, #tpu.memory_space<vmem>>, vector<16xf32>,
        %get3A_307 = arith.constant 3 : i32
        %get3A_308 = arith.index_cast %get3A_307 : i32 to index
        %get3A_309 = arith.constant 0 : index
        %get3A_310 = tpu.vector_load %arg9[%get3A_308, %get3A_309] {strides = array<i32>} : memref<7x16xf32, #tpu.memory_space<vmem>>, vector<16xf32>,
        %gt3A_311 = arith.constant 0.000000e+00 : f32
        %gt3A_312 = vector.broadcast %gt3A_311 : f32 to vector<16xf32>
        %gt3A_313 = arith.cmpf ogt, %get3A_310, %gt3A_312 : vector<16xf32>
        %max3A_314 = arith.constant 1.000000e+00 : f32
        %max3A_315 = vector.broadcast %max3A_314 : f32 to vector<16xf32>
        %max3A_316 = arith.maximumf %get3A_310, %max3A_315 : vector<16xf32>
        %div3A_317 = arith.divf %get3A_306, %max3A_316 : vector<16xf32>
        %select_n3A_318 = arith.select %gt3A_313, %div3A_317, %get3A_127 : vector<16xi1>, vector<16xf32>
        %swap3A_319 = arith.constant 3 : i32
        %swap3A_320 = arith.index_cast %swap3A_319 : i32 to index
        %swap3A_321 = arith.constant 0 : index
        %swap3A_322 = tpu.vector_load %arg11[%swap3A_320, %swap3A_321] {strides = array<i32>} : memref<7x16xf32, #tpu.memory_space<vmem>>, vector<16xf32>,
        tpu.vector_store %arg11[%swap3A_320, %swap3A_321], %get3A_127 {strides = array<i32>} : memref<7x16xf32, #tpu.memory_space<vmem>>, vector<16xf32>,
        %swap3A_323 = arith.constant 3 : i32
        %swap3A_324 = arith.index_cast %swap3A_323 : i32 to index
        %swap3A_325 = arith.constant 0 : index
        %swap3A_326 = tpu.vector_load %arg10[%swap3A_324, %swap3A_325] {strides = array<i32>} : memref<7x16xf32, #tpu.memory_space<vmem>>, vector<16xf32>,
        tpu.vector_store %arg10[%swap3A_324, %swap3A_325], %select_n3A_318 {strides = array<i32>} : memref<7x16xf32, #tpu.memory_space<vmem>>, vector<16xf32>,
        %eq3A_327 = arith.cmpf oeq, %select_n3A_318, %get3A_127 : vector<16xf32>
        %and3A_328 = arith.andi %and3A_302, %eq3A_327 : vector<16xi1>
        %get3A_329 = arith.constant 4 : i32
        %get3A_330 = arith.index_cast %get3A_329 : i32 to index
        %get3A_331 = arith.constant 0 : index
        %get3A_332 = tpu.vector_load %arg8[%get3A_330, %get3A_331] {strides = array<i32>} : memref<7x16xf32, #tpu.memory_space<vmem>>, vector<16xf32>,
        %get3A_333 = arith.constant 4 : i32
        %get3A_334 = arith.index_cast %get3A_333 : i32 to index
        %get3A_335 = arith.constant 0 : index
        %get3A_336 = tpu.vector_load %arg9[%get3A_334, %get3A_335] {strides = array<i32>} : memref<7x16xf32, #tpu.memory_space<vmem>>, vector<16xf32>,
        %gt3A_337 = arith.constant 0.000000e+00 : f32
        %gt3A_338 = vector.broadcast %gt3A_337 : f32 to vector<16xf32>
        %gt3A_339 = arith.cmpf ogt, %get3A_336, %gt3A_338 : vector<16xf32>
        %max3A_340 = arith.constant 1.000000e+00 : f32
        %max3A_341 = vector.broadcast %max3A_340 : f32 to vector<16xf32>
        %max3A_342 = arith.maximumf %get3A_336, %max3A_341 : vector<16xf32>
        %div3A_343 = arith.divf %get3A_332, %max3A_342 : vector<16xf32>
        %select_n3A_344 = arith.select %gt3A_339, %div3A_343, %get3A_131 : vector<16xi1>, vector<16xf32>
        %swap3A_345 = arith.constant 4 : i32
        %swap3A_346 = arith.index_cast %swap3A_345 : i32 to index
        %swap3A_347 = arith.constant 0 : index
        %swap3A_348 = tpu.vector_load %arg11[%swap3A_346, %swap3A_347] {strides = array<i32>} : memref<7x16xf32, #tpu.memory_space<vmem>>, vector<16xf32>,
        tpu.vector_store %arg11[%swap3A_346, %swap3A_347], %get3A_131 {strides = array<i32>} : memref<7x16xf32, #tpu.memory_space<vmem>>, vector<16xf32>,
        %swap3A_349 = arith.constant 4 : i32
        %swap3A_350 = arith.index_cast %swap3A_349 : i32 to index
        %swap3A_351 = arith.constant 0 : index
        %swap3A_352 = tpu.vector_load %arg10[%swap3A_350, %swap3A_351] {strides = array<i32>} : memref<7x16xf32, #tpu.memory_space<vmem>>, vector<16xf32>,
        tpu.vector_store %arg10[%swap3A_350, %swap3A_351], %select_n3A_344 {strides = array<i32>} : memref<7x16xf32, #tpu.memory_space<vmem>>, vector<16xf32>,
        %eq3A_353 = arith.cmpf oeq, %select_n3A_344, %get3A_131 : vector<16xf32>
        %and3A_354 = arith.andi %and3A_328, %eq3A_353 : vector<16xi1>
        %get3A_355 = arith.constant 5 : i32
        %get3A_356 = arith.index_cast %get3A_355 : i32 to index
        %get3A_357 = arith.constant 0 : index
        %get3A_358 = tpu.vector_load %arg8[%get3A_356, %get3A_357] {strides = array<i32>} : memref<7x16xf32, #tpu.memory_space<vmem>>, vector<16xf32>,
        %get3A_359 = arith.constant 5 : i32
        %get3A_360 = arith.index_cast %get3A_359 : i32 to index
        %get3A_361 = arith.constant 0 : index
        %get3A_362 = tpu.vector_load %arg9[%get3A_360, %get3A_361] {strides = array<i32>} : memref<7x16xf32, #tpu.memory_space<vmem>>, vector<16xf32>,
        %gt3A_363 = arith.constant 0.000000e+00 : f32
        %gt3A_364 = vector.broadcast %gt3A_363 : f32 to vector<16xf32>
        %gt3A_365 = arith.cmpf ogt, %get3A_362, %gt3A_364 : vector<16xf32>
        %max3A_366 = arith.constant 1.000000e+00 : f32
        %max3A_367 = vector.broadcast %max3A_366 : f32 to vector<16xf32>
        %max3A_368 = arith.maximumf %get3A_362, %max3A_367 : vector<16xf32>
        %div3A_369 = arith.divf %get3A_358, %max3A_368 : vector<16xf32>
        %select_n3A_370 = arith.select %gt3A_365, %div3A_369, %get3A_135 : vector<16xi1>, vector<16xf32>
        %swap3A_371 = arith.constant 5 : i32
        %swap3A_372 = arith.index_cast %swap3A_371 : i32 to index
        %swap3A_373 = arith.constant 0 : index
        %swap3A_374 = tpu.vector_load %arg11[%swap3A_372, %swap3A_373] {strides = array<i32>} : memref<7x16xf32, #tpu.memory_space<vmem>>, vector<16xf32>,
        tpu.vector_store %arg11[%swap3A_372, %swap3A_373], %get3A_135 {strides = array<i32>} : memref<7x16xf32, #tpu.memory_space<vmem>>, vector<16xf32>,
        %swap3A_375 = arith.constant 5 : i32
        %swap3A_376 = arith.index_cast %swap3A_375 : i32 to index
        %swap3A_377 = arith.constant 0 : index
        %swap3A_378 = tpu.vector_load %arg10[%swap3A_376, %swap3A_377] {strides = array<i32>} : memref<7x16xf32, #tpu.memory_space<vmem>>, vector<16xf32>,
        tpu.vector_store %arg10[%swap3A_376, %swap3A_377], %select_n3A_370 {strides = array<i32>} : memref<7x16xf32, #tpu.memory_space<vmem>>, vector<16xf32>,
        %eq3A_379 = arith.cmpf oeq, %select_n3A_370, %get3A_135 : vector<16xf32>
        %and3A_380 = arith.andi %and3A_354, %eq3A_379 : vector<16xi1>
        %get3A_381 = arith.constant 6 : i32
        %get3A_382 = arith.index_cast %get3A_381 : i32 to index
        %get3A_383 = arith.constant 0 : index
        %get3A_384 = tpu.vector_load %arg8[%get3A_382, %get3A_383] {strides = array<i32>} : memref<7x16xf32, #tpu.memory_space<vmem>>, vector<16xf32>,
        %get3A_385 = arith.constant 6 : i32
        %get3A_386 = arith.index_cast %get3A_385 : i32 to index
        %get3A_387 = arith.constant 0 : index
        %get3A_388 = tpu.vector_load %arg9[%get3A_386, %get3A_387] {strides = array<i32>} : memref<7x16xf32, #tpu.memory_space<vmem>>, vector<16xf32>,
        %gt3A_389 = arith.constant 0.000000e+00 : f32
        %gt3A_390 = vector.broadcast %gt3A_389 : f32 to vector<16xf32>
        %gt3A_391 = arith.cmpf ogt, %get3A_388, %gt3A_390 : vector<16xf32>
        %max3A_392 = arith.constant 1.000000e+00 : f32
        %max3A_393 = vector.broadcast %max3A_392 : f32 to vector<16xf32>
        %max3A_394 = arith.maximumf %get3A_388, %max3A_393 : vector<16xf32>
        %div3A_395 = arith.divf %get3A_384, %max3A_394 : vector<16xf32>
        %select_n3A_396 = arith.select %gt3A_391, %div3A_395, %get3A_139 : vector<16xi1>, vector<16xf32>
        %swap3A_397 = arith.constant 6 : i32
        %swap3A_398 = arith.index_cast %swap3A_397 : i32 to index
        %swap3A_399 = arith.constant 0 : index
        %swap3A_400 = tpu.vector_load %arg11[%swap3A_398, %swap3A_399] {strides = array<i32>} : memref<7x16xf32, #tpu.memory_space<vmem>>, vector<16xf32>,
        tpu.vector_store %arg11[%swap3A_398, %swap3A_399], %get3A_139 {strides = array<i32>} : memref<7x16xf32, #tpu.memory_space<vmem>>, vector<16xf32>,
        %swap3A_401 = arith.constant 6 : i32
        %swap3A_402 = arith.index_cast %swap3A_401 : i32 to index
        %swap3A_403 = arith.constant 0 : index
        %swap3A_404 = tpu.vector_load %arg10[%swap3A_402, %swap3A_403] {strides = array<i32>} : memref<7x16xf32, #tpu.memory_space<vmem>>, vector<16xf32>,
        tpu.vector_store %arg10[%swap3A_402, %swap3A_403], %select_n3A_396 {strides = array<i32>} : memref<7x16xf32, #tpu.memory_space<vmem>>, vector<16xf32>,
        %eq3A_405 = arith.cmpf oeq, %select_n3A_396, %get3A_139 : vector<16xf32>
        %and3A_406 = arith.andi %and3A_380, %eq3A_405 : vector<16xi1>
        %reduce_and3A = arith.constant 1.000000e+00 : f32
        %reduce_and3A_407 = arith.constant 0.000000e+00 : f32
        %reduce_and3A_408 = vector.broadcast %reduce_and3A : f32 to vector<16xf32>
        %reduce_and3A_409 = vector.broadcast %reduce_and3A_407 : f32 to vector<16xf32>
        %reduce_and3A_410 = arith.select %and3A_406, %reduce_and3A_408, %reduce_and3A_409 : vector<16xi1>, vector<16xf32>
        %reduce_and3A_411 = arith.constant true
        %reduce_and3A_412 = vector.broadcast %reduce_and3A_411 : i1 to vector<16xi1>
        %reduce_and3A_413 = tpu.scan <min>, %reduce_and3A_410 masked %reduce_and3A_412 : vector<16xf32>, vector<16xi1> -> vector<16xf32>
        %reduce_and3A_414 = vector.extract %reduce_and3A_413[15] : f32 from vector<16xf32>
        %reduce_and3A_415 = arith.constant 0.000000e+00 : f32
        %reduce_and3A_416 = arith.cmpf ogt, %reduce_and3A_414, %reduce_and3A_415 : f32
        scf.yield %reduce_and3A_416 : i1
      }
      %while3A_108 = arith.constant 1 : i32
      %while3A_109 = scf.for %while3A_110 = %while3A_105 to %while3A_101 step %while3A_108 iter_args(%while3A_111 = %while3A_107) -> (i1)  : i32 {
        %get3A_112 = arith.constant 0 : i32
        %get3A_113 = arith.index_cast %get3A_112 : i32 to index
        %get3A_114 = arith.constant 0 : index
        %get3A_115 = tpu.vector_load %arg10[%get3A_113, %get3A_114] {strides = array<i32>} : memref<7x16xf32, #tpu.memory_space<vmem>>, vector<16xf32>,
        %get3A_116 = arith.constant 1 : i32
        %get3A_117 = arith.index_cast %get3A_116 : i32 to index
        %get3A_118 = arith.constant 0 : index
        %get3A_119 = tpu.vector_load %arg10[%get3A_117, %get3A_118] {strides = array<i32>} : memref<7x16xf32, #tpu.memory_space<vmem>>, vector<16xf32>,
        %get3A_120 = arith.constant 2 : i32
        %get3A_121 = arith.index_cast %get3A_120 : i32 to index
        %get3A_122 = arith.constant 0 : index
        %get3A_123 = tpu.vector_load %arg10[%get3A_121, %get3A_122] {strides = array<i32>} : memref<7x16xf32, #tpu.memory_space<vmem>>, vector<16xf32>,
        %get3A_124 = arith.constant 3 : i32
        %get3A_125 = arith.index_cast %get3A_124 : i32 to index
        %get3A_126 = arith.constant 0 : index
        %get3A_127 = tpu.vector_load %arg10[%get3A_125, %get3A_126] {strides = array<i32>} : memref<7x16xf32, #tpu.memory_space<vmem>>, vector<16xf32>,
        %get3A_128 = arith.constant 4 : i32
        %get3A_129 = arith.index_cast %get3A_128 : i32 to index
        %get3A_130 = arith.constant 0 : index
        %get3A_131 = tpu.vector_load %arg10[%get3A_129, %get3A_130] {strides = array<i32>} : memref<7x16xf32, #tpu.memory_space<vmem>>, vector<16xf32>,
        %get3A_132 = arith.constant 5 : i32
        %get3A_133 = arith.index_cast %get3A_132 : i32 to index
        %get3A_134 = arith.constant 0 : index
        %get3A_135 = tpu.vector_load %arg10[%get3A_133, %get3A_134] {strides = array<i32>} : memref<7x16xf32, #tpu.memory_space<vmem>>, vector<16xf32>,
        %get3A_136 = arith.constant 6 : i32
        %get3A_137 = arith.index_cast %get3A_136 : i32 to index
        %get3A_138 = arith.constant 0 : index
        %get3A_139 = tpu.vector_load %arg10[%get3A_137, %get3A_138] {strides = array<i32>} : memref<7x16xf32, #tpu.memory_space<vmem>>, vector<16xf32>,
        %broadcast_in_dim3A_140 = arith.constant 0.000000e+00 : f32
        %broadcast_in_dim3A_141 = vector.broadcast %broadcast_in_dim3A_140 : f32 to vector<16xf32>
        %swap3A_142 = arith.constant 0 : i32
        %swap3A_143 = arith.index_cast %swap3A_142 : i32 to index
        %swap3A_144 = arith.constant 0 : index
        %swap3A_145 = tpu.vector_load %arg8[%swap3A_143, %swap3A_144] {strides = array<i32>} : memref<7x16xf32, #tpu.memory_space<vmem>>, vector<16xf32>,
        tpu.vector_store %arg8[%swap3A_143, %swap3A_144], %broadcast_in_dim3A_141 {strides = array<i32>} : memref<7x16xf32, #tpu.memory_space<vmem>>, vector<16xf32>,
        %broadcast_in_dim3A_146 = arith.constant 0.000000e+00 : f32
        %broadcast_in_dim3A_147 = vector.broadcast %broadcast_in_dim3A_146 : f32 to vector<16xf32>
        %swap3A_148 = arith.constant 0 : i32
        %swap3A_149 = arith.index_cast %swap3A_148 : i32 to index
        %swap3A_150 = arith.constant 0 : index
        %swap3A_151 = tpu.vector_load %arg9[%swap3A_149, %swap3A_150] {strides = array<i32>} : memref<7x16xf32, #tpu.memory_space<vmem>>, vector<16xf32>,
        tpu.vector_store %arg9[%swap3A_149, %swap3A_150], %broadcast_in_dim3A_147 {strides = array<i32>} : memref<7x16xf32, #tpu.memory_space<vmem>>, vector<16xf32>,
        %broadcast_in_dim3A_152 = arith.constant 0.000000e+00 : f32
        %broadcast_in_dim3A_153 = vector.broadcast %broadcast_in_dim3A_152 : f32 to vector<16xf32>
        %swap3A_154 = arith.constant 1 : i32
        %swap3A_155 = arith.index_cast %swap3A_154 : i32 to index
        %swap3A_156 = arith.constant 0 : index
        %swap3A_157 = tpu.vector_load %arg8[%swap3A_155, %swap3A_156] {strides = array<i32>} : memref<7x16xf32, #tpu.memory_space<vmem>>, vector<16xf32>,
        tpu.vector_store %arg8[%swap3A_155, %swap3A_156], %broadcast_in_dim3A_153 {strides = array<i32>} : memref<7x16xf32, #tpu.memory_space<vmem>>, vector<16xf32>,
        %broadcast_in_dim3A_158 = arith.constant 0.000000e+00 : f32
        %broadcast_in_dim3A_159 = vector.broadcast %broadcast_in_dim3A_158 : f32 to vector<16xf32>
        %swap3A_160 = arith.constant 1 : i32
        %swap3A_161 = arith.index_cast %swap3A_160 : i32 to index
        %swap3A_162 = arith.constant 0 : index
        %swap3A_163 = tpu.vector_load %arg9[%swap3A_161, %swap3A_162] {strides = array<i32>} : memref<7x16xf32, #tpu.memory_space<vmem>>, vector<16xf32>,
        tpu.vector_store %arg9[%swap3A_161, %swap3A_162], %broadcast_in_dim3A_159 {strides = array<i32>} : memref<7x16xf32, #tpu.memory_space<vmem>>, vector<16xf32>,
        %broadcast_in_dim3A_164 = arith.constant 0.000000e+00 : f32
        %broadcast_in_dim3A_165 = vector.broadcast %broadcast_in_dim3A_164 : f32 to vector<16xf32>
        %swap3A_166 = arith.constant 2 : i32
        %swap3A_167 = arith.index_cast %swap3A_166 : i32 to index
        %swap3A_168 = arith.constant 0 : index
        %swap3A_169 = tpu.vector_load %arg8[%swap3A_167, %swap3A_168] {strides = array<i32>} : memref<7x16xf32, #tpu.memory_space<vmem>>, vector<16xf32>,
        tpu.vector_store %arg8[%swap3A_167, %swap3A_168], %broadcast_in_dim3A_165 {strides = array<i32>} : memref<7x16xf32, #tpu.memory_space<vmem>>, vector<16xf32>,
        %broadcast_in_dim3A_170 = arith.constant 0.000000e+00 : f32
        %broadcast_in_dim3A_171 = vector.broadcast %broadcast_in_dim3A_170 : f32 to vector<16xf32>
        %swap3A_172 = arith.constant 2 : i32
        %swap3A_173 = arith.index_cast %swap3A_172 : i32 to index
        %swap3A_174 = arith.constant 0 : index
        %swap3A_175 = tpu.vector_load %arg9[%swap3A_173, %swap3A_174] {strides = array<i32>} : memref<7x16xf32, #tpu.memory_space<vmem>>, vector<16xf32>,
        tpu.vector_store %arg9[%swap3A_173, %swap3A_174], %broadcast_in_dim3A_171 {strides = array<i32>} : memref<7x16xf32, #tpu.memory_space<vmem>>, vector<16xf32>,
        %broadcast_in_dim3A_176 = arith.constant 0.000000e+00 : f32
        %broadcast_in_dim3A_177 = vector.broadcast %broadcast_in_dim3A_176 : f32 to vector<16xf32>
        %swap3A_178 = arith.constant 3 : i32
        %swap3A_179 = arith.index_cast %swap3A_178 : i32 to index
        %swap3A_180 = arith.constant 0 : index
        %swap3A_181 = tpu.vector_load %arg8[%swap3A_179, %swap3A_180] {strides = array<i32>} : memref<7x16xf32, #tpu.memory_space<vmem>>, vector<16xf32>,
        tpu.vector_store %arg8[%swap3A_179, %swap3A_180], %broadcast_in_dim3A_177 {strides = array<i32>} : memref<7x16xf32, #tpu.memory_space<vmem>>, vector<16xf32>,
        %broadcast_in_dim3A_182 = arith.constant 0.000000e+00 : f32
        %broadcast_in_dim3A_183 = vector.broadcast %broadcast_in_dim3A_182 : f32 to vector<16xf32>
        %swap3A_184 = arith.constant 3 : i32
        %swap3A_185 = arith.index_cast %swap3A_184 : i32 to index
        %swap3A_186 = arith.constant 0 : index
        %swap3A_187 = tpu.vector_load %arg9[%swap3A_185, %swap3A_186] {strides = array<i32>} : memref<7x16xf32, #tpu.memory_space<vmem>>, vector<16xf32>,
        tpu.vector_store %arg9[%swap3A_185, %swap3A_186], %broadcast_in_dim3A_183 {strides = array<i32>} : memref<7x16xf32, #tpu.memory_space<vmem>>, vector<16xf32>,
        %broadcast_in_dim3A_188 = arith.constant 0.000000e+00 : f32
        %broadcast_in_dim3A_189 = vector.broadcast %broadcast_in_dim3A_188 : f32 to vector<16xf32>
        %swap3A_190 = arith.constant 4 : i32
        %swap3A_191 = arith.index_cast %swap3A_190 : i32 to index
        %swap3A_192 = arith.constant 0 : index
        %swap3A_193 = tpu.vector_load %arg8[%swap3A_191, %swap3A_192] {strides = array<i32>} : memref<7x16xf32, #tpu.memory_space<vmem>>, vector<16xf32>,
        tpu.vector_store %arg8[%swap3A_191, %swap3A_192], %broadcast_in_dim3A_189 {strides = array<i32>} : memref<7x16xf32, #tpu.memory_space<vmem>>, vector<16xf32>,
        %broadcast_in_dim3A_194 = arith.constant 0.000000e+00 : f32
        %broadcast_in_dim3A_195 = vector.broadcast %broadcast_in_dim3A_194 : f32 to vector<16xf32>
        %swap3A_196 = arith.constant 4 : i32
        %swap3A_197 = arith.index_cast %swap3A_196 : i32 to index
        %swap3A_198 = arith.constant 0 : index
        %swap3A_199 = tpu.vector_load %arg9[%swap3A_197, %swap3A_198] {strides = array<i32>} : memref<7x16xf32, #tpu.memory_space<vmem>>, vector<16xf32>,
        tpu.vector_store %arg9[%swap3A_197, %swap3A_198], %broadcast_in_dim3A_195 {strides = array<i32>} : memref<7x16xf32, #tpu.memory_space<vmem>>, vector<16xf32>,
        %broadcast_in_dim3A_200 = arith.constant 0.000000e+00 : f32
        %broadcast_in_dim3A_201 = vector.broadcast %broadcast_in_dim3A_200 : f32 to vector<16xf32>
        %swap3A_202 = arith.constant 5 : i32
        %swap3A_203 = arith.index_cast %swap3A_202 : i32 to index
        %swap3A_204 = arith.constant 0 : index
        %swap3A_205 = tpu.vector_load %arg8[%swap3A_203, %swap3A_204] {strides = array<i32>} : memref<7x16xf32, #tpu.memory_space<vmem>>, vector<16xf32>,
        tpu.vector_store %arg8[%swap3A_203, %swap3A_204], %broadcast_in_dim3A_201 {strides = array<i32>} : memref<7x16xf32, #tpu.memory_space<vmem>>, vector<16xf32>,
        %broadcast_in_dim3A_206 = arith.constant 0.000000e+00 : f32
        %broadcast_in_dim3A_207 = vector.broadcast %broadcast_in_dim3A_206 : f32 to vector<16xf32>
        %swap3A_208 = arith.constant 5 : i32
        %swap3A_209 = arith.index_cast %swap3A_208 : i32 to index
        %swap3A_210 = arith.constant 0 : index
        %swap3A_211 = tpu.vector_load %arg9[%swap3A_209, %swap3A_210] {strides = array<i32>} : memref<7x16xf32, #tpu.memory_space<vmem>>, vector<16xf32>,
        tpu.vector_store %arg9[%swap3A_209, %swap3A_210], %broadcast_in_dim3A_207 {strides = array<i32>} : memref<7x16xf32, #tpu.memory_space<vmem>>, vector<16xf32>,
        %broadcast_in_dim3A_212 = arith.constant 0.000000e+00 : f32
        %broadcast_in_dim3A_213 = vector.broadcast %broadcast_in_dim3A_212 : f32 to vector<16xf32>
        %swap3A_214 = arith.constant 6 : i32
        %swap3A_215 = arith.index_cast %swap3A_214 : i32 to index
        %swap3A_216 = arith.constant 0 : index
        %swap3A_217 = tpu.vector_load %arg8[%swap3A_215, %swap3A_216] {strides = array<i32>} : memref<7x16xf32, #tpu.memory_space<vmem>>, vector<16xf32>,
        tpu.vector_store %arg8[%swap3A_215, %swap3A_216], %broadcast_in_dim3A_213 {strides = array<i32>} : memref<7x16xf32, #tpu.memory_space<vmem>>, vector<16xf32>,
        %broadcast_in_dim3A_218 = arith.constant 0.000000e+00 : f32
        %broadcast_in_dim3A_219 = vector.broadcast %broadcast_in_dim3A_218 : f32 to vector<16xf32>
        %swap3A_220 = arith.constant 6 : i32
        %swap3A_221 = arith.index_cast %swap3A_220 : i32 to index
        %swap3A_222 = arith.constant 0 : index
        %swap3A_223 = tpu.vector_load %arg9[%swap3A_221, %swap3A_222] {strides = array<i32>} : memref<7x16xf32, #tpu.memory_space<vmem>>, vector<16xf32>,
        tpu.vector_store %arg9[%swap3A_221, %swap3A_222], %broadcast_in_dim3A_219 {strides = array<i32>} : memref<7x16xf32, #tpu.memory_space<vmem>>, vector<16xf32>,
        %scan3A_224 = arith.constant 0 : i32
        %scan3A_225 = arith.constant 0 : i32
        %scan3A_226 = arith.constant 300 : i32
        %scan3A_227 = arith.addi %scan3A_225, %scan3A_226 : i32
        %scan3A_228 = arith.constant 1 : i32
        %scan3A_229 = scf.for %scan3A_417 = %scan3A_225 to %scan3A_227 step %scan3A_228 iter_args(%scan3A_418 = %scan3A_224) -> (i32)  : i32 {
          %get3A_419 = arith.index_cast %scan3A_417 : i32 to index
          %get3A_420 = arith.constant 0 : index
          %get3A_421 = tpu.vector_load %arg5[%get3A_419, %get3A_420] {strides = array<i32>} : memref<300x16xf32, #tpu.memory_space<vmem>>, vector<16xf32>,
          %sub3A = arith.subf %get3A_421, %get3A_115 : vector<16xf32>
          %abs3A = math.absf %sub3A : vector<16xf32>
          %broadcast_in_dim3A_422 = arith.constant 0 : i32
          %broadcast_in_dim3A_423 = vector.broadcast %broadcast_in_dim3A_422 : i32 to vector<16xi32>
          %sub3A_424 = arith.subf %get3A_421, %get3A_119 : vector<16xf32>
          %abs3A_425 = math.absf %sub3A_424 : vector<16xf32>
          %lt3A = arith.cmpf olt, %abs3A_425, %abs3A : vector<16xf32>
          %select_n3A_426 = arith.select %lt3A, %abs3A_425, %abs3A : vector<16xi1>, vector<16xf32>
          %jit3A_427 = arith.constant 1 : i32
          %broadcast_in_dim3A_428 = vector.broadcast %jit3A_427 : i32 to vector<16xi32>
          %select_n3A_429 = arith.select %lt3A, %broadcast_in_dim3A_428, %broadcast_in_dim3A_423 : vector<16xi1>, vector<16xi32>
          %sub3A_430 = arith.subf %get3A_421, %get3A_123 : vector<16xf32>
          %abs3A_431 = math.absf %sub3A_430 : vector<16xf32>
          %lt3A_432 = arith.cmpf olt, %abs3A_431, %select_n3A_426 : vector<16xf32>
          %select_n3A_433 = arith.select %lt3A_432, %abs3A_431, %select_n3A_426 : vector<16xi1>, vector<16xf32>
          %jit3A_434 = arith.constant 2 : i32
          %broadcast_in_dim3A_435 = vector.broadcast %jit3A_434 : i32 to vector<16xi32>
          %select_n3A_436 = arith.select %lt3A_432, %broadcast_in_dim3A_435, %select_n3A_429 : vector<16xi1>, vector<16xi32>
          %sub3A_437 = arith.subf %get3A_421, %get3A_127 : vector<16xf32>
          %abs3A_438 = math.absf %sub3A_437 : vector<16xf32>
          %lt3A_439 = arith.cmpf olt, %abs3A_438, %select_n3A_433 : vector<16xf32>
          %select_n3A_440 = arith.select %lt3A_439, %abs3A_438, %select_n3A_433 : vector<16xi1>, vector<16xf32>
          %jit3A_441 = arith.constant 3 : i32
          %broadcast_in_dim3A_442 = vector.broadcast %jit3A_441 : i32 to vector<16xi32>
          %select_n3A_443 = arith.select %lt3A_439, %broadcast_in_dim3A_442, %select_n3A_436 : vector<16xi1>, vector<16xi32>
          %sub3A_444 = arith.subf %get3A_421, %get3A_131 : vector<16xf32>
          %abs3A_445 = math.absf %sub3A_444 : vector<16xf32>
          %lt3A_446 = arith.cmpf olt, %abs3A_445, %select_n3A_440 : vector<16xf32>
          %select_n3A_447 = arith.select %lt3A_446, %abs3A_445, %select_n3A_440 : vector<16xi1>, vector<16xf32>
          %jit3A_448 = arith.constant 4 : i32
          %broadcast_in_dim3A_449 = vector.broadcast %jit3A_448 : i32 to vector<16xi32>
          %select_n3A_450 = arith.select %lt3A_446, %broadcast_in_dim3A_449, %select_n3A_443 : vector<16xi1>, vector<16xi32>
          %sub3A_451 = arith.subf %get3A_421, %get3A_135 : vector<16xf32>
          %abs3A_452 = math.absf %sub3A_451 : vector<16xf32>
          %lt3A_453 = arith.cmpf olt, %abs3A_452, %select_n3A_447 : vector<16xf32>
          %select_n3A_454 = arith.select %lt3A_453, %abs3A_452, %select_n3A_447 : vector<16xi1>, vector<16xf32>
          %jit3A_455 = arith.constant 5 : i32
          %broadcast_in_dim3A_456 = vector.broadcast %jit3A_455 : i32 to vector<16xi32>
          %select_n3A_457 = arith.select %lt3A_453, %broadcast_in_dim3A_456, %select_n3A_450 : vector<16xi1>, vector<16xi32>
          %sub3A_458 = arith.subf %get3A_421, %get3A_139 : vector<16xf32>
          %abs3A_459 = math.absf %sub3A_458 : vector<16xf32>
          %lt3A_460 = arith.cmpf olt, %abs3A_459, %select_n3A_454 : vector<16xf32>
          %select_n3A_461 = arith.select %lt3A_460, %abs3A_459, %select_n3A_454 : vector<16xi1>, vector<16xf32>
          %jit3A_462 = arith.constant 6 : i32
          %broadcast_in_dim3A_463 = vector.broadcast %jit3A_462 : i32 to vector<16xi32>
          %select_n3A_464 = arith.select %lt3A_460, %broadcast_in_dim3A_463, %select_n3A_457 : vector<16xi1>, vector<16xi32>
          tpu.vector_store_idx %arg8[%select_n3A_464, %iota3A], %get3A_421 {add = true} : memref<7x16xf32, #tpu.memory_space<vmem>>[vector<16xi32>, vector<16xi32>], vector<16xf32>,
          tpu.vector_store_idx %arg9[%select_n3A_464, %iota3A], %broadcast_in_dim3A_0 {add = true} : memref<7x16xf32, #tpu.memory_space<vmem>>[vector<16xi32>, vector<16xi32>], vector<16xf32>,
          %scan3A_465 = arith.constant 0 : i32
          scf.yield %scan3A_465 : i32
        }
        %scan3A_230 = arith.constant 300 : i32
        %get3A_231 = arith.constant 0 : i32
        %get3A_232 = arith.index_cast %get3A_231 : i32 to index
        %get3A_233 = arith.constant 0 : index
        %get3A_234 = tpu.vector_load %arg8[%get3A_232, %get3A_233] {strides = array<i32>} : memref<7x16xf32, #tpu.memory_space<vmem>>, vector<16xf32>,
        %get3A_235 = arith.constant 0 : i32
        %get3A_236 = arith.index_cast %get3A_235 : i32 to index
        %get3A_237 = arith.constant 0 : index
        %get3A_238 = tpu.vector_load %arg9[%get3A_236, %get3A_237] {strides = array<i32>} : memref<7x16xf32, #tpu.memory_space<vmem>>, vector<16xf32>,
        %gt3A = arith.constant 0.000000e+00 : f32
        %gt3A_239 = vector.broadcast %gt3A : f32 to vector<16xf32>
        %gt3A_240 = arith.cmpf ogt, %get3A_238, %gt3A_239 : vector<16xf32>
        %max3A = arith.constant 1.000000e+00 : f32
        %max3A_241 = vector.broadcast %max3A : f32 to vector<16xf32>
        %max3A_242 = arith.maximumf %get3A_238, %max3A_241 : vector<16xf32>
        %div3A = arith.divf %get3A_234, %max3A_242 : vector<16xf32>
        %select_n3A_243 = arith.select %gt3A_240, %div3A, %get3A_115 : vector<16xi1>, vector<16xf32>
        %swap3A_244 = arith.constant 0 : i32
        %swap3A_245 = arith.index_cast %swap3A_244 : i32 to index
        %swap3A_246 = arith.constant 0 : index
        %swap3A_247 = tpu.vector_load %arg11[%swap3A_245, %swap3A_246] {strides = array<i32>} : memref<7x16xf32, #tpu.memory_space<vmem>>, vector<16xf32>,
        tpu.vector_store %arg11[%swap3A_245, %swap3A_246], %get3A_115 {strides = array<i32>} : memref<7x16xf32, #tpu.memory_space<vmem>>, vector<16xf32>,
        %swap3A_248 = arith.constant 0 : i32
        %swap3A_249 = arith.index_cast %swap3A_248 : i32 to index
        %swap3A_250 = arith.constant 0 : index
        %swap3A_251 = tpu.vector_load %arg10[%swap3A_249, %swap3A_250] {strides = array<i32>} : memref<7x16xf32, #tpu.memory_space<vmem>>, vector<16xf32>,
        tpu.vector_store %arg10[%swap3A_249, %swap3A_250], %select_n3A_243 {strides = array<i32>} : memref<7x16xf32, #tpu.memory_space<vmem>>, vector<16xf32>,
        %eq3A = arith.cmpf oeq, %select_n3A_243, %get3A_115 : vector<16xf32>
        %get3A_252 = arith.constant 1 : i32
        %get3A_253 = arith.index_cast %get3A_252 : i32 to index
        %get3A_254 = arith.constant 0 : index
        %get3A_255 = tpu.vector_load %arg8[%get3A_253, %get3A_254] {strides = array<i32>} : memref<7x16xf32, #tpu.memory_space<vmem>>, vector<16xf32>,
        %get3A_256 = arith.constant 1 : i32
        %get3A_257 = arith.index_cast %get3A_256 : i32 to index
        %get3A_258 = arith.constant 0 : index
        %get3A_259 = tpu.vector_load %arg9[%get3A_257, %get3A_258] {strides = array<i32>} : memref<7x16xf32, #tpu.memory_space<vmem>>, vector<16xf32>,
        %gt3A_260 = arith.constant 0.000000e+00 : f32
        %gt3A_261 = vector.broadcast %gt3A_260 : f32 to vector<16xf32>
        %gt3A_262 = arith.cmpf ogt, %get3A_259, %gt3A_261 : vector<16xf32>
        %max3A_263 = arith.constant 1.000000e+00 : f32
        %max3A_264 = vector.broadcast %max3A_263 : f32 to vector<16xf32>
        %max3A_265 = arith.maximumf %get3A_259, %max3A_264 : vector<16xf32>
        %div3A_266 = arith.divf %get3A_255, %max3A_265 : vector<16xf32>
        %select_n3A_267 = arith.select %gt3A_262, %div3A_266, %get3A_119 : vector<16xi1>, vector<16xf32>
        %swap3A_268 = arith.constant 1 : i32
        %swap3A_269 = arith.index_cast %swap3A_268 : i32 to index
        %swap3A_270 = arith.constant 0 : index
        %swap3A_271 = tpu.vector_load %arg11[%swap3A_269, %swap3A_270] {strides = array<i32>} : memref<7x16xf32, #tpu.memory_space<vmem>>, vector<16xf32>,
        tpu.vector_store %arg11[%swap3A_269, %swap3A_270], %get3A_119 {strides = array<i32>} : memref<7x16xf32, #tpu.memory_space<vmem>>, vector<16xf32>,
        %swap3A_272 = arith.constant 1 : i32
        %swap3A_273 = arith.index_cast %swap3A_272 : i32 to index
        %swap3A_274 = arith.constant 0 : index
        %swap3A_275 = tpu.vector_load %arg10[%swap3A_273, %swap3A_274] {strides = array<i32>} : memref<7x16xf32, #tpu.memory_space<vmem>>, vector<16xf32>,
        tpu.vector_store %arg10[%swap3A_273, %swap3A_274], %select_n3A_267 {strides = array<i32>} : memref<7x16xf32, #tpu.memory_space<vmem>>, vector<16xf32>,
        %eq3A_276 = arith.cmpf oeq, %select_n3A_267, %get3A_119 : vector<16xf32>
        %and3A = arith.andi %eq3A, %eq3A_276 : vector<16xi1>
        %get3A_277 = arith.constant 2 : i32
        %get3A_278 = arith.index_cast %get3A_277 : i32 to index
        %get3A_279 = arith.constant 0 : index
        %get3A_280 = tpu.vector_load %arg8[%get3A_278, %get3A_279] {strides = array<i32>} : memref<7x16xf32, #tpu.memory_space<vmem>>, vector<16xf32>,
        %get3A_281 = arith.constant 2 : i32
        %get3A_282 = arith.index_cast %get3A_281 : i32 to index
        %get3A_283 = arith.constant 0 : index
        %get3A_284 = tpu.vector_load %arg9[%get3A_282, %get3A_283] {strides = array<i32>} : memref<7x16xf32, #tpu.memory_space<vmem>>, vector<16xf32>,
        %gt3A_285 = arith.constant 0.000000e+00 : f32
        %gt3A_286 = vector.broadcast %gt3A_285 : f32 to vector<16xf32>
        %gt3A_287 = arith.cmpf ogt, %get3A_284, %gt3A_286 : vector<16xf32>
        %max3A_288 = arith.constant 1.000000e+00 : f32
        %max3A_289 = vector.broadcast %max3A_288 : f32 to vector<16xf32>
        %max3A_290 = arith.maximumf %get3A_284, %max3A_289 : vector<16xf32>
        %div3A_291 = arith.divf %get3A_280, %max3A_290 : vector<16xf32>
        %select_n3A_292 = arith.select %gt3A_287, %div3A_291, %get3A_123 : vector<16xi1>, vector<16xf32>
        %swap3A_293 = arith.constant 2 : i32
        %swap3A_294 = arith.index_cast %swap3A_293 : i32 to index
        %swap3A_295 = arith.constant 0 : index
        %swap3A_296 = tpu.vector_load %arg11[%swap3A_294, %swap3A_295] {strides = array<i32>} : memref<7x16xf32, #tpu.memory_space<vmem>>, vector<16xf32>,
        tpu.vector_store %arg11[%swap3A_294, %swap3A_295], %get3A_123 {strides = array<i32>} : memref<7x16xf32, #tpu.memory_space<vmem>>, vector<16xf32>,
        %swap3A_297 = arith.constant 2 : i32
        %swap3A_298 = arith.index_cast %swap3A_297 : i32 to index
        %swap3A_299 = arith.constant 0 : index
        %swap3A_300 = tpu.vector_load %arg10[%swap3A_298, %swap3A_299] {strides = array<i32>} : memref<7x16xf32, #tpu.memory_space<vmem>>, vector<16xf32>,
        tpu.vector_store %arg10[%swap3A_298, %swap3A_299], %select_n3A_292 {strides = array<i32>} : memref<7x16xf32, #tpu.memory_space<vmem>>, vector<16xf32>,
        %eq3A_301 = arith.cmpf oeq, %select_n3A_292, %get3A_123 : vector<16xf32>
        %and3A_302 = arith.andi %and3A, %eq3A_301 : vector<16xi1>
        %get3A_303 = arith.constant 3 : i32
        %get3A_304 = arith.index_cast %get3A_303 : i32 to index
        %get3A_305 = arith.constant 0 : index
        %get3A_306 = tpu.vector_load %arg8[%get3A_304, %get3A_305] {strides = array<i32>} : memref<7x16xf32, #tpu.memory_space<vmem>>, vector<16xf32>,
        %get3A_307 = arith.constant 3 : i32
        %get3A_308 = arith.index_cast %get3A_307 : i32 to index
        %get3A_309 = arith.constant 0 : index
        %get3A_310 = tpu.vector_load %arg9[%get3A_308, %get3A_309] {strides = array<i32>} : memref<7x16xf32, #tpu.memory_space<vmem>>, vector<16xf32>,
        %gt3A_311 = arith.constant 0.000000e+00 : f32
        %gt3A_312 = vector.broadcast %gt3A_311 : f32 to vector<16xf32>
        %gt3A_313 = arith.cmpf ogt, %get3A_310, %gt3A_312 : vector<16xf32>
        %max3A_314 = arith.constant 1.000000e+00 : f32
        %max3A_315 = vector.broadcast %max3A_314 : f32 to vector<16xf32>
        %max3A_316 = arith.maximumf %get3A_310, %max3A_315 : vector<16xf32>
        %div3A_317 = arith.divf %get3A_306, %max3A_316 : vector<16xf32>
        %select_n3A_318 = arith.select %gt3A_313, %div3A_317, %get3A_127 : vector<16xi1>, vector<16xf32>
        %swap3A_319 = arith.constant 3 : i32
        %swap3A_320 = arith.index_cast %swap3A_319 : i32 to index
        %swap3A_321 = arith.constant 0 : index
        %swap3A_322 = tpu.vector_load %arg11[%swap3A_320, %swap3A_321] {strides = array<i32>} : memref<7x16xf32, #tpu.memory_space<vmem>>, vector<16xf32>,
        tpu.vector_store %arg11[%swap3A_320, %swap3A_321], %get3A_127 {strides = array<i32>} : memref<7x16xf32, #tpu.memory_space<vmem>>, vector<16xf32>,
        %swap3A_323 = arith.constant 3 : i32
        %swap3A_324 = arith.index_cast %swap3A_323 : i32 to index
        %swap3A_325 = arith.constant 0 : index
        %swap3A_326 = tpu.vector_load %arg10[%swap3A_324, %swap3A_325] {strides = array<i32>} : memref<7x16xf32, #tpu.memory_space<vmem>>, vector<16xf32>,
        tpu.vector_store %arg10[%swap3A_324, %swap3A_325], %select_n3A_318 {strides = array<i32>} : memref<7x16xf32, #tpu.memory_space<vmem>>, vector<16xf32>,
        %eq3A_327 = arith.cmpf oeq, %select_n3A_318, %get3A_127 : vector<16xf32>
        %and3A_328 = arith.andi %and3A_302, %eq3A_327 : vector<16xi1>
        %get3A_329 = arith.constant 4 : i32
        %get3A_330 = arith.index_cast %get3A_329 : i32 to index
        %get3A_331 = arith.constant 0 : index
        %get3A_332 = tpu.vector_load %arg8[%get3A_330, %get3A_331] {strides = array<i32>} : memref<7x16xf32, #tpu.memory_space<vmem>>, vector<16xf32>,
        %get3A_333 = arith.constant 4 : i32
        %get3A_334 = arith.index_cast %get3A_333 : i32 to index
        %get3A_335 = arith.constant 0 : index
        %get3A_336 = tpu.vector_load %arg9[%get3A_334, %get3A_335] {strides = array<i32>} : memref<7x16xf32, #tpu.memory_space<vmem>>, vector<16xf32>,
        %gt3A_337 = arith.constant 0.000000e+00 : f32
        %gt3A_338 = vector.broadcast %gt3A_337 : f32 to vector<16xf32>
        %gt3A_339 = arith.cmpf ogt, %get3A_336, %gt3A_338 : vector<16xf32>
        %max3A_340 = arith.constant 1.000000e+00 : f32
        %max3A_341 = vector.broadcast %max3A_340 : f32 to vector<16xf32>
        %max3A_342 = arith.maximumf %get3A_336, %max3A_341 : vector<16xf32>
        %div3A_343 = arith.divf %get3A_332, %max3A_342 : vector<16xf32>
        %select_n3A_344 = arith.select %gt3A_339, %div3A_343, %get3A_131 : vector<16xi1>, vector<16xf32>
        %swap3A_345 = arith.constant 4 : i32
        %swap3A_346 = arith.index_cast %swap3A_345 : i32 to index
        %swap3A_347 = arith.constant 0 : index
        %swap3A_348 = tpu.vector_load %arg11[%swap3A_346, %swap3A_347] {strides = array<i32>} : memref<7x16xf32, #tpu.memory_space<vmem>>, vector<16xf32>,
        tpu.vector_store %arg11[%swap3A_346, %swap3A_347], %get3A_131 {strides = array<i32>} : memref<7x16xf32, #tpu.memory_space<vmem>>, vector<16xf32>,
        %swap3A_349 = arith.constant 4 : i32
        %swap3A_350 = arith.index_cast %swap3A_349 : i32 to index
        %swap3A_351 = arith.constant 0 : index
        %swap3A_352 = tpu.vector_load %arg10[%swap3A_350, %swap3A_351] {strides = array<i32>} : memref<7x16xf32, #tpu.memory_space<vmem>>, vector<16xf32>,
        tpu.vector_store %arg10[%swap3A_350, %swap3A_351], %select_n3A_344 {strides = array<i32>} : memref<7x16xf32, #tpu.memory_space<vmem>>, vector<16xf32>,
        %eq3A_353 = arith.cmpf oeq, %select_n3A_344, %get3A_131 : vector<16xf32>
        %and3A_354 = arith.andi %and3A_328, %eq3A_353 : vector<16xi1>
        %get3A_355 = arith.constant 5 : i32
        %get3A_356 = arith.index_cast %get3A_355 : i32 to index
        %get3A_357 = arith.constant 0 : index
        %get3A_358 = tpu.vector_load %arg8[%get3A_356, %get3A_357] {strides = array<i32>} : memref<7x16xf32, #tpu.memory_space<vmem>>, vector<16xf32>,
        %get3A_359 = arith.constant 5 : i32
        %get3A_360 = arith.index_cast %get3A_359 : i32 to index
        %get3A_361 = arith.constant 0 : index
        %get3A_362 = tpu.vector_load %arg9[%get3A_360, %get3A_361] {strides = array<i32>} : memref<7x16xf32, #tpu.memory_space<vmem>>, vector<16xf32>,
        %gt3A_363 = arith.constant 0.000000e+00 : f32
        %gt3A_364 = vector.broadcast %gt3A_363 : f32 to vector<16xf32>
        %gt3A_365 = arith.cmpf ogt, %get3A_362, %gt3A_364 : vector<16xf32>
        %max3A_366 = arith.constant 1.000000e+00 : f32
        %max3A_367 = vector.broadcast %max3A_366 : f32 to vector<16xf32>
        %max3A_368 = arith.maximumf %get3A_362, %max3A_367 : vector<16xf32>
        %div3A_369 = arith.divf %get3A_358, %max3A_368 : vector<16xf32>
        %select_n3A_370 = arith.select %gt3A_365, %div3A_369, %get3A_135 : vector<16xi1>, vector<16xf32>
        %swap3A_371 = arith.constant 5 : i32
        %swap3A_372 = arith.index_cast %swap3A_371 : i32 to index
        %swap3A_373 = arith.constant 0 : index
        %swap3A_374 = tpu.vector_load %arg11[%swap3A_372, %swap3A_373] {strides = array<i32>} : memref<7x16xf32, #tpu.memory_space<vmem>>, vector<16xf32>,
        tpu.vector_store %arg11[%swap3A_372, %swap3A_373], %get3A_135 {strides = array<i32>} : memref<7x16xf32, #tpu.memory_space<vmem>>, vector<16xf32>,
        %swap3A_375 = arith.constant 5 : i32
        %swap3A_376 = arith.index_cast %swap3A_375 : i32 to index
        %swap3A_377 = arith.constant 0 : index
        %swap3A_378 = tpu.vector_load %arg10[%swap3A_376, %swap3A_377] {strides = array<i32>} : memref<7x16xf32, #tpu.memory_space<vmem>>, vector<16xf32>,
        tpu.vector_store %arg10[%swap3A_376, %swap3A_377], %select_n3A_370 {strides = array<i32>} : memref<7x16xf32, #tpu.memory_space<vmem>>, vector<16xf32>,
        %eq3A_379 = arith.cmpf oeq, %select_n3A_370, %get3A_135 : vector<16xf32>
        %and3A_380 = arith.andi %and3A_354, %eq3A_379 : vector<16xi1>
        %get3A_381 = arith.constant 6 : i32
        %get3A_382 = arith.index_cast %get3A_381 : i32 to index
        %get3A_383 = arith.constant 0 : index
        %get3A_384 = tpu.vector_load %arg8[%get3A_382, %get3A_383] {strides = array<i32>} : memref<7x16xf32, #tpu.memory_space<vmem>>, vector<16xf32>,
        %get3A_385 = arith.constant 6 : i32
        %get3A_386 = arith.index_cast %get3A_385 : i32 to index
        %get3A_387 = arith.constant 0 : index
        %get3A_388 = tpu.vector_load %arg9[%get3A_386, %get3A_387] {strides = array<i32>} : memref<7x16xf32, #tpu.memory_space<vmem>>, vector<16xf32>,
        %gt3A_389 = arith.constant 0.000000e+00 : f32
        %gt3A_390 = vector.broadcast %gt3A_389 : f32 to vector<16xf32>
        %gt3A_391 = arith.cmpf ogt, %get3A_388, %gt3A_390 : vector<16xf32>
        %max3A_392 = arith.constant 1.000000e+00 : f32
        %max3A_393 = vector.broadcast %max3A_392 : f32 to vector<16xf32>
        %max3A_394 = arith.maximumf %get3A_388, %max3A_393 : vector<16xf32>
        %div3A_395 = arith.divf %get3A_384, %max3A_394 : vector<16xf32>
        %select_n3A_396 = arith.select %gt3A_391, %div3A_395, %get3A_139 : vector<16xi1>, vector<16xf32>
        %swap3A_397 = arith.constant 6 : i32
        %swap3A_398 = arith.index_cast %swap3A_397 : i32 to index
        %swap3A_399 = arith.constant 0 : index
        %swap3A_400 = tpu.vector_load %arg11[%swap3A_398, %swap3A_399] {strides = array<i32>} : memref<7x16xf32, #tpu.memory_space<vmem>>, vector<16xf32>,
        tpu.vector_store %arg11[%swap3A_398, %swap3A_399], %get3A_139 {strides = array<i32>} : memref<7x16xf32, #tpu.memory_space<vmem>>, vector<16xf32>,
        %swap3A_401 = arith.constant 6 : i32
        %swap3A_402 = arith.index_cast %swap3A_401 : i32 to index
        %swap3A_403 = arith.constant 0 : index
        %swap3A_404 = tpu.vector_load %arg10[%swap3A_402, %swap3A_403] {strides = array<i32>} : memref<7x16xf32, #tpu.memory_space<vmem>>, vector<16xf32>,
        tpu.vector_store %arg10[%swap3A_402, %swap3A_403], %select_n3A_396 {strides = array<i32>} : memref<7x16xf32, #tpu.memory_space<vmem>>, vector<16xf32>,
        %eq3A_405 = arith.cmpf oeq, %select_n3A_396, %get3A_139 : vector<16xf32>
        %and3A_406 = arith.andi %and3A_380, %eq3A_405 : vector<16xi1>
        %reduce_and3A = arith.constant 1.000000e+00 : f32
        %reduce_and3A_407 = arith.constant 0.000000e+00 : f32
        %reduce_and3A_408 = vector.broadcast %reduce_and3A : f32 to vector<16xf32>
        %reduce_and3A_409 = vector.broadcast %reduce_and3A_407 : f32 to vector<16xf32>
        %reduce_and3A_410 = arith.select %and3A_406, %reduce_and3A_408, %reduce_and3A_409 : vector<16xi1>, vector<16xf32>
        %reduce_and3A_411 = arith.constant true
        %reduce_and3A_412 = vector.broadcast %reduce_and3A_411 : i1 to vector<16xi1>
        %reduce_and3A_413 = tpu.scan <min>, %reduce_and3A_410 masked %reduce_and3A_412 : vector<16xf32>, vector<16xi1> -> vector<16xf32>
        %reduce_and3A_414 = vector.extract %reduce_and3A_413[15] : f32 from vector<16xf32>
        %reduce_and3A_415 = arith.constant 0.000000e+00 : f32
        %reduce_and3A_416 = arith.cmpf ogt, %reduce_and3A_414, %reduce_and3A_415 : f32
        scf.yield %reduce_and3A_416 : i1
      }
      scf.yield %while3A_109 : i1
    }
    %scan3A_60 = arith.constant 100 : i32
    %get3A_61 = arith.constant 0 : i32
    %get3A_62 = arith.index_cast %get3A_61 : i32 to index
    %get3A_63 = arith.constant 0 : index
    %get3A_64 = tpu.vector_load %arg11[%get3A_62, %get3A_63] {strides = array<i32>} : memref<7x16xf32, #tpu.memory_space<vmem>>, vector<16xf32>,
    %get3A_65 = arith.constant 1 : i32
    %get3A_66 = arith.index_cast %get3A_65 : i32 to index
    %get3A_67 = arith.constant 0 : index
    %get3A_68 = tpu.vector_load %arg11[%get3A_66, %get3A_67] {strides = array<i32>} : memref<7x16xf32, #tpu.memory_space<vmem>>, vector<16xf32>,
    %get3A_69 = arith.constant 2 : i32
    %get3A_70 = arith.index_cast %get3A_69 : i32 to index
    %get3A_71 = arith.constant 0 : index
    %get3A_72 = tpu.vector_load %arg11[%get3A_70, %get3A_71] {strides = array<i32>} : memref<7x16xf32, #tpu.memory_space<vmem>>, vector<16xf32>,
    %get3A_73 = arith.constant 3 : i32
    %get3A_74 = arith.index_cast %get3A_73 : i32 to index
    %get3A_75 = arith.constant 0 : index
    %get3A_76 = tpu.vector_load %arg11[%get3A_74, %get3A_75] {strides = array<i32>} : memref<7x16xf32, #tpu.memory_space<vmem>>, vector<16xf32>,
    %get3A_77 = arith.constant 4 : i32
    %get3A_78 = arith.index_cast %get3A_77 : i32 to index
    %get3A_79 = arith.constant 0 : index
    %get3A_80 = tpu.vector_load %arg11[%get3A_78, %get3A_79] {strides = array<i32>} : memref<7x16xf32, #tpu.memory_space<vmem>>, vector<16xf32>,
    %get3A_81 = arith.constant 5 : i32
    %get3A_82 = arith.index_cast %get3A_81 : i32 to index
    %get3A_83 = arith.constant 0 : index
    %get3A_84 = tpu.vector_load %arg11[%get3A_82, %get3A_83] {strides = array<i32>} : memref<7x16xf32, #tpu.memory_space<vmem>>, vector<16xf32>,
    %get3A_85 = arith.constant 6 : i32
    %get3A_86 = arith.index_cast %get3A_85 : i32 to index
    %get3A_87 = arith.constant 0 : index
    %get3A_88 = tpu.vector_load %arg11[%get3A_86, %get3A_87] {strides = array<i32>} : memref<7x16xf32, #tpu.memory_space<vmem>>, vector<16xf32>,
    %scan3A_89 = arith.constant 0 : i32
    %scan3A_90 = arith.constant 0 : i32
    %scan3A_91 = arith.constant 300 : i32
    %scan3A_92 = arith.addi %scan3A_90, %scan3A_91 : i32
    %scan3A_93 = arith.constant 1 : i32
    %scan3A_94 = scf.for %scan3A_97 = %scan3A_90 to %scan3A_92 step %scan3A_93 iter_args(%scan3A_98 = %scan3A_89) -> (i32)  : i32 {
      %get3A_99 = arith.index_cast %scan3A_97 : i32 to index
      %get3A_100 = arith.constant 0 : index
      %get3A_101 = tpu.vector_load %arg5[%get3A_99, %get3A_100] {strides = array<i32>} : memref<300x16xf32, #tpu.memory_space<vmem>>, vector<16xf32>,
      %sub3A = arith.subf %get3A_101, %get3A_64 : vector<16xf32>
      %abs3A = math.absf %sub3A : vector<16xf32>
      %broadcast_in_dim3A_102 = arith.constant 0 : i32
      %broadcast_in_dim3A_103 = vector.broadcast %broadcast_in_dim3A_102 : i32 to vector<16xi32>
      %sub3A_104 = arith.subf %get3A_101, %get3A_68 : vector<16xf32>
      %abs3A_105 = math.absf %sub3A_104 : vector<16xf32>
      %lt3A = arith.cmpf olt, %abs3A_105, %abs3A : vector<16xf32>
      %select_n3A = arith.select %lt3A, %abs3A_105, %abs3A : vector<16xi1>, vector<16xf32>
      %jit3A = arith.constant 1 : i32
      %broadcast_in_dim3A_106 = vector.broadcast %jit3A : i32 to vector<16xi32>
      %select_n3A_107 = arith.select %lt3A, %broadcast_in_dim3A_106, %broadcast_in_dim3A_103 : vector<16xi1>, vector<16xi32>
      %sub3A_108 = arith.subf %get3A_101, %get3A_72 : vector<16xf32>
      %abs3A_109 = math.absf %sub3A_108 : vector<16xf32>
      %lt3A_110 = arith.cmpf olt, %abs3A_109, %select_n3A : vector<16xf32>
      %select_n3A_111 = arith.select %lt3A_110, %abs3A_109, %select_n3A : vector<16xi1>, vector<16xf32>
      %jit3A_112 = arith.constant 2 : i32
      %broadcast_in_dim3A_113 = vector.broadcast %jit3A_112 : i32 to vector<16xi32>
      %select_n3A_114 = arith.select %lt3A_110, %broadcast_in_dim3A_113, %select_n3A_107 : vector<16xi1>, vector<16xi32>
      %sub3A_115 = arith.subf %get3A_101, %get3A_76 : vector<16xf32>
      %abs3A_116 = math.absf %sub3A_115 : vector<16xf32>
      %lt3A_117 = arith.cmpf olt, %abs3A_116, %select_n3A_111 : vector<16xf32>
      %select_n3A_118 = arith.select %lt3A_117, %abs3A_116, %select_n3A_111 : vector<16xi1>, vector<16xf32>
      %jit3A_119 = arith.constant 3 : i32
      %broadcast_in_dim3A_120 = vector.broadcast %jit3A_119 : i32 to vector<16xi32>
      %select_n3A_121 = arith.select %lt3A_117, %broadcast_in_dim3A_120, %select_n3A_114 : vector<16xi1>, vector<16xi32>
      %sub3A_122 = arith.subf %get3A_101, %get3A_80 : vector<16xf32>
      %abs3A_123 = math.absf %sub3A_122 : vector<16xf32>
      %lt3A_124 = arith.cmpf olt, %abs3A_123, %select_n3A_118 : vector<16xf32>
      %select_n3A_125 = arith.select %lt3A_124, %abs3A_123, %select_n3A_118 : vector<16xi1>, vector<16xf32>
      %jit3A_126 = arith.constant 4 : i32
      %broadcast_in_dim3A_127 = vector.broadcast %jit3A_126 : i32 to vector<16xi32>
      %select_n3A_128 = arith.select %lt3A_124, %broadcast_in_dim3A_127, %select_n3A_121 : vector<16xi1>, vector<16xi32>
      %sub3A_129 = arith.subf %get3A_101, %get3A_84 : vector<16xf32>
      %abs3A_130 = math.absf %sub3A_129 : vector<16xf32>
      %lt3A_131 = arith.cmpf olt, %abs3A_130, %select_n3A_125 : vector<16xf32>
      %select_n3A_132 = arith.select %lt3A_131, %abs3A_130, %select_n3A_125 : vector<16xi1>, vector<16xf32>
      %jit3A_133 = arith.constant 5 : i32
      %broadcast_in_dim3A_134 = vector.broadcast %jit3A_133 : i32 to vector<16xi32>
      %select_n3A_135 = arith.select %lt3A_131, %broadcast_in_dim3A_134, %select_n3A_128 : vector<16xi1>, vector<16xi32>
      %sub3A_136 = arith.subf %get3A_101, %get3A_88 : vector<16xf32>
      %abs3A_137 = math.absf %sub3A_136 : vector<16xf32>
      %lt3A_138 = arith.cmpf olt, %abs3A_137, %select_n3A_132 : vector<16xf32>
      %select_n3A_139 = arith.select %lt3A_138, %abs3A_137, %select_n3A_132 : vector<16xi1>, vector<16xf32>
      %jit3A_140 = arith.constant 6 : i32
      %broadcast_in_dim3A_141 = vector.broadcast %jit3A_140 : i32 to vector<16xi32>
      %select_n3A_142 = arith.select %lt3A_138, %broadcast_in_dim3A_141, %select_n3A_135 : vector<16xi1>, vector<16xi32>
      %swap3A_143 = arith.index_cast %scan3A_97 : i32 to index
      %swap3A_144 = arith.constant 0 : index
      %swap3A_145 = tpu.vector_load %arg6[%swap3A_143, %swap3A_144] {strides = array<i32>} : memref<300x16xi32, #tpu.memory_space<vmem>>, vector<16xi32>,
      tpu.vector_store %arg6[%swap3A_143, %swap3A_144], %select_n3A_142 {strides = array<i32>} : memref<300x16xi32, #tpu.memory_space<vmem>>, vector<16xi32>,
      %scan3A_146 = arith.constant 0 : i32
      scf.yield %scan3A_146 : i32
    }
    %scan3A_95 = arith.constant 300 : i32
    %run_scoped3A_96 = arith.constant 0 : i32
    "tpu.region"() ({
      %run_scoped3A_97 = tpu.sem_alloc : memref<!tpu.dma_semaphore, #tpu.memory_space<semaphore_mem>>
      %dma_start3A = arith.constant 0 : i32
      %dma_start3A_98 = arith.constant 0 : i32
      %dma_start3A_99 = tpu.memref_slice %arg4[%arg1, %run_scoped3A_96, %dma_start3A, %dma_start3A_98] : memref<16x1x300x16xi32, #tpu.memory_space<hbm>> -> memref<1x1x300x16xi32, #tpu.memory_space<hbm>>
      %dma_start3A_100 = tpu.memref_squeeze %dma_start3A_99 : memref<1x1x300x16xi32, #tpu.memory_space<hbm>> -> memref<300x16xi32, #tpu.memory_space<hbm>>
      %dma_start3A_101 = arith.constant 0 : i32
      %dma_start3A_102 = arith.constant 0 : i32
      %dma_start3A_103 = tpu.memref_slice %arg4[%arg1, %run_scoped3A_96, %dma_start3A_101, %dma_start3A_102] : memref<16x1x300x16xi32, #tpu.memory_space<hbm>> -> memref<1x1x300x16xi32, #tpu.memory_space<hbm>>
      %dma_start3A_104 = tpu.memref_squeeze %dma_start3A_103 : memref<1x1x300x16xi32, #tpu.memory_space<hbm>> -> memref<300x16xi32, #tpu.memory_space<hbm>>
      tpu.enqueue_dma source(%arg6 : memref<300x16xi32, #tpu.memory_space<vmem>>) target(%dma_start3A_104 : memref<300x16xi32, #tpu.memory_space<hbm>>) target_semaphore(%run_scoped3A_97 : memref<!tpu.dma_semaphore, #tpu.memory_space<semaphore_mem>>)
      %dma_wait3A = arith.constant 0 : i32
      %dma_wait3A_105 = arith.constant 0 : i32
      %dma_wait3A_106 = tpu.memref_slice %arg4[%arg1, %run_scoped3A_96, %dma_wait3A, %dma_wait3A_105] : memref<16x1x300x16xi32, #tpu.memory_space<hbm>> -> memref<1x1x300x16xi32, #tpu.memory_space<hbm>>
      %dma_wait3A_107 = tpu.memref_squeeze %dma_wait3A_106 : memref<1x1x300x16xi32, #tpu.memory_space<hbm>> -> memref<300x16xi32, #tpu.memory_space<hbm>>
      %dma_wait3A_108 = arith.constant 0 : i32
      %dma_wait3A_109 = arith.constant 0 : i32
      %dma_wait3A_110 = tpu.memref_slice %arg4[%arg1, %run_scoped3A_96, %dma_wait3A_108, %dma_wait3A_109] : memref<16x1x300x16xi32, #tpu.memory_space<hbm>> -> memref<1x1x300x16xi32, #tpu.memory_space<hbm>>
      %dma_wait3A_111 = tpu.memref_squeeze %dma_wait3A_110 : memref<1x1x300x16xi32, #tpu.memory_space<hbm>> -> memref<300x16xi32, #tpu.memory_space<hbm>>
      tpu.wait_dma2 semaphore(%run_scoped3A_97 : memref<!tpu.dma_semaphore, #tpu.memory_space<semaphore_mem>>) src(%arg6 : memref<300x16xi32, #tpu.memory_space<vmem>>) dst(%dma_wait3A_111 : memref<300x16xi32, #tpu.memory_space<hbm>>)
      tpu.yield
    }) : () -> ()
    return
  }
}

module attributes {stable_mosaic.version = 14 : i64} {
  func.func @_tc_body(%arg0: memref<512x300xf32, #tpu.memory_space<vmem>>, %arg1: memref<512x7xf32, #tpu.memory_space<vmem>>, %arg2: memref<512x300xi32, #tpu.memory_space<vmem>>) attributes {dimension_semantics = [], scalar_prefetch = 0 : i64, scratch_operands = 0 : i64, tpu.core_type = #tpu.core_type<tc>} {
    %get3A = arith.constant 0 : index
    %get3A_0 = arith.constant 0 : index
    %get3A_1 = vector.load %arg0[%get3A, %get3A_0] : memref<512x300xf32, #tpu.memory_space<vmem>>, vector<512x300xf32>
    %get3A_2 = arith.constant 0 : index
    %get3A_3 = arith.constant 0 : index
    %get3A_4 = vector.load %arg1[%get3A_2, %get3A_3] : memref<512x7xf32, #tpu.memory_space<vmem>>, vector<512x7xf32>
    %broadcast_in_dim3A = arith.constant 0 : i32
    %broadcast_in_dim3A_5 = vector.broadcast %broadcast_in_dim3A : i32 to vector<512x300xi32>
    %while3A = arith.constant 0 : i32
    %while3A_6 = arith.constant false
    %while3A_7:4 = scf.while (%while3A_10 = %while3A, %while3A_11 = %get3A_4, %while3A_12 = %broadcast_in_dim3A_5, %while3A_13 = %while3A_6) : (i32, vector<512x7xf32>, vector<512x300xi32>, i1) -> (i32, vector<512x7xf32>, vector<512x300xi32>, i1) {
      %lt3A = arith.constant 100 : i32
      %lt3A_14 = arith.cmpi slt, %while3A_10, %lt3A : i32
      %not3A = arith.constant true
      %not3A_15 = arith.xori %while3A_13, %not3A : i1
      %and3A = arith.andi %lt3A_14, %not3A_15 : i1
      scf.condition(%and3A) %while3A_10, %while3A_11, %while3A_12, %while3A_13 : i32, vector<512x7xf32>, vector<512x300xi32>, i1
    } do {
    ^bb0(%while3A_10: i32, %while3A_11: vector<512x7xf32>, %while3A_12: vector<512x300xi32>, %while3A_13: i1):
      %broadcast_in_dim3A_14 = arith.constant 0x7F800000 : f32
      %broadcast_in_dim3A_15 = vector.broadcast %broadcast_in_dim3A_14 : f32 to vector<512x300xf32>
      %broadcast_in_dim3A_16 = arith.constant 0 : i32
      %broadcast_in_dim3A_17 = vector.broadcast %broadcast_in_dim3A_16 : i32 to vector<512x300xi32>
      %slice3A = vector.extract_strided_slice %while3A_11 {offsets = [0, 0], sizes = [512, 1], strides = [1, 1]} : vector<512x7xf32> to vector<512x1xf32>
      %sub3A = vector.broadcast %slice3A : vector<512x1xf32> to vector<512x300xf32>
      %sub3A_18 = arith.subf %get3A_1, %sub3A : vector<512x300xf32>
      %abs3A = math.absf %sub3A_18 : vector<512x300xf32>
      %lt3A = arith.cmpf olt, %abs3A, %broadcast_in_dim3A_15 : vector<512x300xf32>
      %select_n3A = arith.select %lt3A, %abs3A, %broadcast_in_dim3A_15 : vector<512x300xi1>, vector<512x300xf32>
      %jit3A = arith.constant 0 : i32
      %broadcast_in_dim3A_19 = vector.broadcast %jit3A : i32 to vector<512x300xi32>
      %select_n3A_20 = arith.select %lt3A, %broadcast_in_dim3A_19, %broadcast_in_dim3A_17 : vector<512x300xi1>, vector<512x300xi32>
      %slice3A_21 = vector.extract_strided_slice %while3A_11 {offsets = [0, 1], sizes = [512, 1], strides = [1, 1]} : vector<512x7xf32> to vector<512x1xf32>
      %sub3A_22 = vector.broadcast %slice3A_21 : vector<512x1xf32> to vector<512x300xf32>
      %sub3A_23 = arith.subf %get3A_1, %sub3A_22 : vector<512x300xf32>
      %abs3A_24 = math.absf %sub3A_23 : vector<512x300xf32>
      %lt3A_25 = arith.cmpf olt, %abs3A_24, %select_n3A : vector<512x300xf32>
      %select_n3A_26 = arith.select %lt3A_25, %abs3A_24, %select_n3A : vector<512x300xi1>, vector<512x300xf32>
      %jit3A_27 = arith.constant 1 : i32
      %broadcast_in_dim3A_28 = vector.broadcast %jit3A_27 : i32 to vector<512x300xi32>
      %select_n3A_29 = arith.select %lt3A_25, %broadcast_in_dim3A_28, %select_n3A_20 : vector<512x300xi1>, vector<512x300xi32>
      %slice3A_30 = vector.extract_strided_slice %while3A_11 {offsets = [0, 2], sizes = [512, 1], strides = [1, 1]} : vector<512x7xf32> to vector<512x1xf32>
      %sub3A_31 = vector.broadcast %slice3A_30 : vector<512x1xf32> to vector<512x300xf32>
      %sub3A_32 = arith.subf %get3A_1, %sub3A_31 : vector<512x300xf32>
      %abs3A_33 = math.absf %sub3A_32 : vector<512x300xf32>
      %lt3A_34 = arith.cmpf olt, %abs3A_33, %select_n3A_26 : vector<512x300xf32>
      %select_n3A_35 = arith.select %lt3A_34, %abs3A_33, %select_n3A_26 : vector<512x300xi1>, vector<512x300xf32>
      %jit3A_36 = arith.constant 2 : i32
      %broadcast_in_dim3A_37 = vector.broadcast %jit3A_36 : i32 to vector<512x300xi32>
      %select_n3A_38 = arith.select %lt3A_34, %broadcast_in_dim3A_37, %select_n3A_29 : vector<512x300xi1>, vector<512x300xi32>
      %slice3A_39 = vector.extract_strided_slice %while3A_11 {offsets = [0, 3], sizes = [512, 1], strides = [1, 1]} : vector<512x7xf32> to vector<512x1xf32>
      %sub3A_40 = vector.broadcast %slice3A_39 : vector<512x1xf32> to vector<512x300xf32>
      %sub3A_41 = arith.subf %get3A_1, %sub3A_40 : vector<512x300xf32>
      %abs3A_42 = math.absf %sub3A_41 : vector<512x300xf32>
      %lt3A_43 = arith.cmpf olt, %abs3A_42, %select_n3A_35 : vector<512x300xf32>
      %select_n3A_44 = arith.select %lt3A_43, %abs3A_42, %select_n3A_35 : vector<512x300xi1>, vector<512x300xf32>
      %jit3A_45 = arith.constant 3 : i32
      %broadcast_in_dim3A_46 = vector.broadcast %jit3A_45 : i32 to vector<512x300xi32>
      %select_n3A_47 = arith.select %lt3A_43, %broadcast_in_dim3A_46, %select_n3A_38 : vector<512x300xi1>, vector<512x300xi32>
      %slice3A_48 = vector.extract_strided_slice %while3A_11 {offsets = [0, 4], sizes = [512, 1], strides = [1, 1]} : vector<512x7xf32> to vector<512x1xf32>
      %sub3A_49 = vector.broadcast %slice3A_48 : vector<512x1xf32> to vector<512x300xf32>
      %sub3A_50 = arith.subf %get3A_1, %sub3A_49 : vector<512x300xf32>
      %abs3A_51 = math.absf %sub3A_50 : vector<512x300xf32>
      %lt3A_52 = arith.cmpf olt, %abs3A_51, %select_n3A_44 : vector<512x300xf32>
      %select_n3A_53 = arith.select %lt3A_52, %abs3A_51, %select_n3A_44 : vector<512x300xi1>, vector<512x300xf32>
      %jit3A_54 = arith.constant 4 : i32
      %broadcast_in_dim3A_55 = vector.broadcast %jit3A_54 : i32 to vector<512x300xi32>
      %select_n3A_56 = arith.select %lt3A_52, %broadcast_in_dim3A_55, %select_n3A_47 : vector<512x300xi1>, vector<512x300xi32>
      %slice3A_57 = vector.extract_strided_slice %while3A_11 {offsets = [0, 5], sizes = [512, 1], strides = [1, 1]} : vector<512x7xf32> to vector<512x1xf32>
      %sub3A_58 = vector.broadcast %slice3A_57 : vector<512x1xf32> to vector<512x300xf32>
      %sub3A_59 = arith.subf %get3A_1, %sub3A_58 : vector<512x300xf32>
      %abs3A_60 = math.absf %sub3A_59 : vector<512x300xf32>
      %lt3A_61 = arith.cmpf olt, %abs3A_60, %select_n3A_53 : vector<512x300xf32>
      %select_n3A_62 = arith.select %lt3A_61, %abs3A_60, %select_n3A_53 : vector<512x300xi1>, vector<512x300xf32>
      %jit3A_63 = arith.constant 5 : i32
      %broadcast_in_dim3A_64 = vector.broadcast %jit3A_63 : i32 to vector<512x300xi32>
      %select_n3A_65 = arith.select %lt3A_61, %broadcast_in_dim3A_64, %select_n3A_56 : vector<512x300xi1>, vector<512x300xi32>
      %slice3A_66 = vector.extract_strided_slice %while3A_11 {offsets = [0, 6], sizes = [512, 1], strides = [1, 1]} : vector<512x7xf32> to vector<512x1xf32>
      %sub3A_67 = vector.broadcast %slice3A_66 : vector<512x1xf32> to vector<512x300xf32>
      %sub3A_68 = arith.subf %get3A_1, %sub3A_67 : vector<512x300xf32>
      %abs3A_69 = math.absf %sub3A_68 : vector<512x300xf32>
      %lt3A_70 = arith.cmpf olt, %abs3A_69, %select_n3A_62 : vector<512x300xf32>
      %select_n3A_71 = arith.select %lt3A_70, %abs3A_69, %select_n3A_62 : vector<512x300xi1>, vector<512x300xf32>
      %jit3A_72 = arith.constant 6 : i32
      %broadcast_in_dim3A_73 = vector.broadcast %jit3A_72 : i32 to vector<512x300xi32>
      %select_n3A_74 = arith.select %lt3A_70, %broadcast_in_dim3A_73, %select_n3A_65 : vector<512x300xi1>, vector<512x300xi32>
      %eq3A = arith.constant 0 : i32
      %eq3A_75 = vector.broadcast %eq3A : i32 to vector<512x300xi32>
      %eq3A_76 = arith.cmpi eq, %select_n3A_74, %eq3A_75 : vector<512x300xi32>
      %jit3A_77 = arith.constant 0.000000e+00 : f32
      %broadcast_in_dim3A_78 = vector.broadcast %jit3A_77 : f32 to vector<512x300xf32>
      %select_n3A_79 = arith.select %eq3A_76, %get3A_1, %broadcast_in_dim3A_78 : vector<512x300xi1>, vector<512x300xf32>
      %reduce_sum3A = arith.constant dense<0.000000e+00> : vector<512xf32>
      %reduce_sum3A_80 = vector.multi_reduction <add>, %select_n3A_79, %reduce_sum3A [1] : vector<512x300xf32> to vector<512xf32>
      %broadcast_in_dim3A_81 = vector.shape_cast %reduce_sum3A_80 : vector<512xf32> to vector<512x1xf32>
      %jit3A_82 = arith.constant 1.000000e+00 : f32
      %jit3A_83 = arith.constant 0.000000e+00 : f32
      %broadcast_in_dim3A_84 = vector.broadcast %jit3A_82 : f32 to vector<512x300xf32>
      %broadcast_in_dim3A_85 = vector.broadcast %jit3A_83 : f32 to vector<512x300xf32>
      %select_n3A_86 = arith.select %eq3A_76, %broadcast_in_dim3A_84, %broadcast_in_dim3A_85 : vector<512x300xi1>, vector<512x300xf32>
      %reduce_sum3A_87 = arith.constant dense<0.000000e+00> : vector<512xf32>
      %reduce_sum3A_88 = vector.multi_reduction <add>, %select_n3A_86, %reduce_sum3A_87 [1] : vector<512x300xf32> to vector<512xf32>
      %broadcast_in_dim3A_89 = vector.shape_cast %reduce_sum3A_88 : vector<512xf32> to vector<512x1xf32>
      %gt3A = arith.constant 0.000000e+00 : f32
      %gt3A_90 = vector.broadcast %gt3A : f32 to vector<512x1xf32>
      %gt3A_91 = arith.cmpf ogt, %broadcast_in_dim3A_89, %gt3A_90 : vector<512x1xf32>
      %max3A = arith.constant 1.000000e+00 : f32
      %max3A_92 = vector.broadcast %max3A : f32 to vector<512x1xf32>
      %max3A_93 = arith.maximumf %broadcast_in_dim3A_89, %max3A_92 : vector<512x1xf32>
      %div3A = arith.divf %broadcast_in_dim3A_81, %max3A_93 : vector<512x1xf32>
      %slice3A_94 = vector.extract_strided_slice %while3A_11 {offsets = [0, 0], sizes = [512, 1], strides = [1, 1]} : vector<512x7xf32> to vector<512x1xf32>
      %select_n3A_95 = arith.select %gt3A_91, %div3A, %slice3A_94 : vector<512x1xi1>, vector<512x1xf32>
      %eq3A_96 = arith.constant 1 : i32
      %eq3A_97 = vector.broadcast %eq3A_96 : i32 to vector<512x300xi32>
      %eq3A_98 = arith.cmpi eq, %select_n3A_74, %eq3A_97 : vector<512x300xi32>
      %jit3A_99 = arith.constant 0.000000e+00 : f32
      %broadcast_in_dim3A_100 = vector.broadcast %jit3A_99 : f32 to vector<512x300xf32>
      %select_n3A_101 = arith.select %eq3A_98, %get3A_1, %broadcast_in_dim3A_100 : vector<512x300xi1>, vector<512x300xf32>
      %reduce_sum3A_102 = arith.constant dense<0.000000e+00> : vector<512xf32>
      %reduce_sum3A_103 = vector.multi_reduction <add>, %select_n3A_101, %reduce_sum3A_102 [1] : vector<512x300xf32> to vector<512xf32>
      %broadcast_in_dim3A_104 = vector.shape_cast %reduce_sum3A_103 : vector<512xf32> to vector<512x1xf32>
      %jit3A_105 = arith.constant 1.000000e+00 : f32
      %jit3A_106 = arith.constant 0.000000e+00 : f32
      %broadcast_in_dim3A_107 = vector.broadcast %jit3A_105 : f32 to vector<512x300xf32>
      %broadcast_in_dim3A_108 = vector.broadcast %jit3A_106 : f32 to vector<512x300xf32>
      %select_n3A_109 = arith.select %eq3A_98, %broadcast_in_dim3A_107, %broadcast_in_dim3A_108 : vector<512x300xi1>, vector<512x300xf32>
      %reduce_sum3A_110 = arith.constant dense<0.000000e+00> : vector<512xf32>
      %reduce_sum3A_111 = vector.multi_reduction <add>, %select_n3A_109, %reduce_sum3A_110 [1] : vector<512x300xf32> to vector<512xf32>
      %broadcast_in_dim3A_112 = vector.shape_cast %reduce_sum3A_111 : vector<512xf32> to vector<512x1xf32>
      %gt3A_113 = arith.constant 0.000000e+00 : f32
      %gt3A_114 = vector.broadcast %gt3A_113 : f32 to vector<512x1xf32>
      %gt3A_115 = arith.cmpf ogt, %broadcast_in_dim3A_112, %gt3A_114 : vector<512x1xf32>
      %max3A_116 = arith.constant 1.000000e+00 : f32
      %max3A_117 = vector.broadcast %max3A_116 : f32 to vector<512x1xf32>
      %max3A_118 = arith.maximumf %broadcast_in_dim3A_112, %max3A_117 : vector<512x1xf32>
      %div3A_119 = arith.divf %broadcast_in_dim3A_104, %max3A_118 : vector<512x1xf32>
      %slice3A_120 = vector.extract_strided_slice %while3A_11 {offsets = [0, 1], sizes = [512, 1], strides = [1, 1]} : vector<512x7xf32> to vector<512x1xf32>
      %select_n3A_121 = arith.select %gt3A_115, %div3A_119, %slice3A_120 : vector<512x1xi1>, vector<512x1xf32>
      %eq3A_122 = arith.constant 2 : i32
      %eq3A_123 = vector.broadcast %eq3A_122 : i32 to vector<512x300xi32>
      %eq3A_124 = arith.cmpi eq, %select_n3A_74, %eq3A_123 : vector<512x300xi32>
      %jit3A_125 = arith.constant 0.000000e+00 : f32
      %broadcast_in_dim3A_126 = vector.broadcast %jit3A_125 : f32 to vector<512x300xf32>
      %select_n3A_127 = arith.select %eq3A_124, %get3A_1, %broadcast_in_dim3A_126 : vector<512x300xi1>, vector<512x300xf32>
      %reduce_sum3A_128 = arith.constant dense<0.000000e+00> : vector<512xf32>
      %reduce_sum3A_129 = vector.multi_reduction <add>, %select_n3A_127, %reduce_sum3A_128 [1] : vector<512x300xf32> to vector<512xf32>
      %broadcast_in_dim3A_130 = vector.shape_cast %reduce_sum3A_129 : vector<512xf32> to vector<512x1xf32>
      %jit3A_131 = arith.constant 1.000000e+00 : f32
      %jit3A_132 = arith.constant 0.000000e+00 : f32
      %broadcast_in_dim3A_133 = vector.broadcast %jit3A_131 : f32 to vector<512x300xf32>
      %broadcast_in_dim3A_134 = vector.broadcast %jit3A_132 : f32 to vector<512x300xf32>
      %select_n3A_135 = arith.select %eq3A_124, %broadcast_in_dim3A_133, %broadcast_in_dim3A_134 : vector<512x300xi1>, vector<512x300xf32>
      %reduce_sum3A_136 = arith.constant dense<0.000000e+00> : vector<512xf32>
      %reduce_sum3A_137 = vector.multi_reduction <add>, %select_n3A_135, %reduce_sum3A_136 [1] : vector<512x300xf32> to vector<512xf32>
      %broadcast_in_dim3A_138 = vector.shape_cast %reduce_sum3A_137 : vector<512xf32> to vector<512x1xf32>
      %gt3A_139 = arith.constant 0.000000e+00 : f32
      %gt3A_140 = vector.broadcast %gt3A_139 : f32 to vector<512x1xf32>
      %gt3A_141 = arith.cmpf ogt, %broadcast_in_dim3A_138, %gt3A_140 : vector<512x1xf32>
      %max3A_142 = arith.constant 1.000000e+00 : f32
      %max3A_143 = vector.broadcast %max3A_142 : f32 to vector<512x1xf32>
      %max3A_144 = arith.maximumf %broadcast_in_dim3A_138, %max3A_143 : vector<512x1xf32>
      %div3A_145 = arith.divf %broadcast_in_dim3A_130, %max3A_144 : vector<512x1xf32>
      %slice3A_146 = vector.extract_strided_slice %while3A_11 {offsets = [0, 2], sizes = [512, 1], strides = [1, 1]} : vector<512x7xf32> to vector<512x1xf32>
      %select_n3A_147 = arith.select %gt3A_141, %div3A_145, %slice3A_146 : vector<512x1xi1>, vector<512x1xf32>
      %eq3A_148 = arith.constant 3 : i32
      %eq3A_149 = vector.broadcast %eq3A_148 : i32 to vector<512x300xi32>
      %eq3A_150 = arith.cmpi eq, %select_n3A_74, %eq3A_149 : vector<512x300xi32>
      %jit3A_151 = arith.constant 0.000000e+00 : f32
      %broadcast_in_dim3A_152 = vector.broadcast %jit3A_151 : f32 to vector<512x300xf32>
      %select_n3A_153 = arith.select %eq3A_150, %get3A_1, %broadcast_in_dim3A_152 : vector<512x300xi1>, vector<512x300xf32>
      %reduce_sum3A_154 = arith.constant dense<0.000000e+00> : vector<512xf32>
      %reduce_sum3A_155 = vector.multi_reduction <add>, %select_n3A_153, %reduce_sum3A_154 [1] : vector<512x300xf32> to vector<512xf32>
      %broadcast_in_dim3A_156 = vector.shape_cast %reduce_sum3A_155 : vector<512xf32> to vector<512x1xf32>
      %jit3A_157 = arith.constant 1.000000e+00 : f32
      %jit3A_158 = arith.constant 0.000000e+00 : f32
      %broadcast_in_dim3A_159 = vector.broadcast %jit3A_157 : f32 to vector<512x300xf32>
      %broadcast_in_dim3A_160 = vector.broadcast %jit3A_158 : f32 to vector<512x300xf32>
      %select_n3A_161 = arith.select %eq3A_150, %broadcast_in_dim3A_159, %broadcast_in_dim3A_160 : vector<512x300xi1>, vector<512x300xf32>
      %reduce_sum3A_162 = arith.constant dense<0.000000e+00> : vector<512xf32>
      %reduce_sum3A_163 = vector.multi_reduction <add>, %select_n3A_161, %reduce_sum3A_162 [1] : vector<512x300xf32> to vector<512xf32>
      %broadcast_in_dim3A_164 = vector.shape_cast %reduce_sum3A_163 : vector<512xf32> to vector<512x1xf32>
      %gt3A_165 = arith.constant 0.000000e+00 : f32
      %gt3A_166 = vector.broadcast %gt3A_165 : f32 to vector<512x1xf32>
      %gt3A_167 = arith.cmpf ogt, %broadcast_in_dim3A_164, %gt3A_166 : vector<512x1xf32>
      %max3A_168 = arith.constant 1.000000e+00 : f32
      %max3A_169 = vector.broadcast %max3A_168 : f32 to vector<512x1xf32>
      %max3A_170 = arith.maximumf %broadcast_in_dim3A_164, %max3A_169 : vector<512x1xf32>
      %div3A_171 = arith.divf %broadcast_in_dim3A_156, %max3A_170 : vector<512x1xf32>
      %slice3A_172 = vector.extract_strided_slice %while3A_11 {offsets = [0, 3], sizes = [512, 1], strides = [1, 1]} : vector<512x7xf32> to vector<512x1xf32>
      %select_n3A_173 = arith.select %gt3A_167, %div3A_171, %slice3A_172 : vector<512x1xi1>, vector<512x1xf32>
      %eq3A_174 = arith.constant 4 : i32
      %eq3A_175 = vector.broadcast %eq3A_174 : i32 to vector<512x300xi32>
      %eq3A_176 = arith.cmpi eq, %select_n3A_74, %eq3A_175 : vector<512x300xi32>
      %jit3A_177 = arith.constant 0.000000e+00 : f32
      %broadcast_in_dim3A_178 = vector.broadcast %jit3A_177 : f32 to vector<512x300xf32>
      %select_n3A_179 = arith.select %eq3A_176, %get3A_1, %broadcast_in_dim3A_178 : vector<512x300xi1>, vector<512x300xf32>
      %reduce_sum3A_180 = arith.constant dense<0.000000e+00> : vector<512xf32>
      %reduce_sum3A_181 = vector.multi_reduction <add>, %select_n3A_179, %reduce_sum3A_180 [1] : vector<512x300xf32> to vector<512xf32>
      %broadcast_in_dim3A_182 = vector.shape_cast %reduce_sum3A_181 : vector<512xf32> to vector<512x1xf32>
      %jit3A_183 = arith.constant 1.000000e+00 : f32
      %jit3A_184 = arith.constant 0.000000e+00 : f32
      %broadcast_in_dim3A_185 = vector.broadcast %jit3A_183 : f32 to vector<512x300xf32>
      %broadcast_in_dim3A_186 = vector.broadcast %jit3A_184 : f32 to vector<512x300xf32>
      %select_n3A_187 = arith.select %eq3A_176, %broadcast_in_dim3A_185, %broadcast_in_dim3A_186 : vector<512x300xi1>, vector<512x300xf32>
      %reduce_sum3A_188 = arith.constant dense<0.000000e+00> : vector<512xf32>
      %reduce_sum3A_189 = vector.multi_reduction <add>, %select_n3A_187, %reduce_sum3A_188 [1] : vector<512x300xf32> to vector<512xf32>
      %broadcast_in_dim3A_190 = vector.shape_cast %reduce_sum3A_189 : vector<512xf32> to vector<512x1xf32>
      %gt3A_191 = arith.constant 0.000000e+00 : f32
      %gt3A_192 = vector.broadcast %gt3A_191 : f32 to vector<512x1xf32>
      %gt3A_193 = arith.cmpf ogt, %broadcast_in_dim3A_190, %gt3A_192 : vector<512x1xf32>
      %max3A_194 = arith.constant 1.000000e+00 : f32
      %max3A_195 = vector.broadcast %max3A_194 : f32 to vector<512x1xf32>
      %max3A_196 = arith.maximumf %broadcast_in_dim3A_190, %max3A_195 : vector<512x1xf32>
      %div3A_197 = arith.divf %broadcast_in_dim3A_182, %max3A_196 : vector<512x1xf32>
      %slice3A_198 = vector.extract_strided_slice %while3A_11 {offsets = [0, 4], sizes = [512, 1], strides = [1, 1]} : vector<512x7xf32> to vector<512x1xf32>
      %select_n3A_199 = arith.select %gt3A_193, %div3A_197, %slice3A_198 : vector<512x1xi1>, vector<512x1xf32>
      %eq3A_200 = arith.constant 5 : i32
      %eq3A_201 = vector.broadcast %eq3A_200 : i32 to vector<512x300xi32>
      %eq3A_202 = arith.cmpi eq, %select_n3A_74, %eq3A_201 : vector<512x300xi32>
      %jit3A_203 = arith.constant 0.000000e+00 : f32
      %broadcast_in_dim3A_204 = vector.broadcast %jit3A_203 : f32 to vector<512x300xf32>
      %select_n3A_205 = arith.select %eq3A_202, %get3A_1, %broadcast_in_dim3A_204 : vector<512x300xi1>, vector<512x300xf32>
      %reduce_sum3A_206 = arith.constant dense<0.000000e+00> : vector<512xf32>
      %reduce_sum3A_207 = vector.multi_reduction <add>, %select_n3A_205, %reduce_sum3A_206 [1] : vector<512x300xf32> to vector<512xf32>
      %broadcast_in_dim3A_208 = vector.shape_cast %reduce_sum3A_207 : vector<512xf32> to vector<512x1xf32>
      %jit3A_209 = arith.constant 1.000000e+00 : f32
      %jit3A_210 = arith.constant 0.000000e+00 : f32
      %broadcast_in_dim3A_211 = vector.broadcast %jit3A_209 : f32 to vector<512x300xf32>
      %broadcast_in_dim3A_212 = vector.broadcast %jit3A_210 : f32 to vector<512x300xf32>
      %select_n3A_213 = arith.select %eq3A_202, %broadcast_in_dim3A_211, %broadcast_in_dim3A_212 : vector<512x300xi1>, vector<512x300xf32>
      %reduce_sum3A_214 = arith.constant dense<0.000000e+00> : vector<512xf32>
      %reduce_sum3A_215 = vector.multi_reduction <add>, %select_n3A_213, %reduce_sum3A_214 [1] : vector<512x300xf32> to vector<512xf32>
      %broadcast_in_dim3A_216 = vector.shape_cast %reduce_sum3A_215 : vector<512xf32> to vector<512x1xf32>
      %gt3A_217 = arith.constant 0.000000e+00 : f32
      %gt3A_218 = vector.broadcast %gt3A_217 : f32 to vector<512x1xf32>
      %gt3A_219 = arith.cmpf ogt, %broadcast_in_dim3A_216, %gt3A_218 : vector<512x1xf32>
      %max3A_220 = arith.constant 1.000000e+00 : f32
      %max3A_221 = vector.broadcast %max3A_220 : f32 to vector<512x1xf32>
      %max3A_222 = arith.maximumf %broadcast_in_dim3A_216, %max3A_221 : vector<512x1xf32>
      %div3A_223 = arith.divf %broadcast_in_dim3A_208, %max3A_222 : vector<512x1xf32>
      %slice3A_224 = vector.extract_strided_slice %while3A_11 {offsets = [0, 5], sizes = [512, 1], strides = [1, 1]} : vector<512x7xf32> to vector<512x1xf32>
      %select_n3A_225 = arith.select %gt3A_219, %div3A_223, %slice3A_224 : vector<512x1xi1>, vector<512x1xf32>
      %eq3A_226 = arith.constant 6 : i32
      %eq3A_227 = vector.broadcast %eq3A_226 : i32 to vector<512x300xi32>
      %eq3A_228 = arith.cmpi eq, %select_n3A_74, %eq3A_227 : vector<512x300xi32>
      %jit3A_229 = arith.constant 0.000000e+00 : f32
      %broadcast_in_dim3A_230 = vector.broadcast %jit3A_229 : f32 to vector<512x300xf32>
      %select_n3A_231 = arith.select %eq3A_228, %get3A_1, %broadcast_in_dim3A_230 : vector<512x300xi1>, vector<512x300xf32>
      %reduce_sum3A_232 = arith.constant dense<0.000000e+00> : vector<512xf32>
      %reduce_sum3A_233 = vector.multi_reduction <add>, %select_n3A_231, %reduce_sum3A_232 [1] : vector<512x300xf32> to vector<512xf32>
      %broadcast_in_dim3A_234 = vector.shape_cast %reduce_sum3A_233 : vector<512xf32> to vector<512x1xf32>
      %jit3A_235 = arith.constant 1.000000e+00 : f32
      %jit3A_236 = arith.constant 0.000000e+00 : f32
      %broadcast_in_dim3A_237 = vector.broadcast %jit3A_235 : f32 to vector<512x300xf32>
      %broadcast_in_dim3A_238 = vector.broadcast %jit3A_236 : f32 to vector<512x300xf32>
      %select_n3A_239 = arith.select %eq3A_228, %broadcast_in_dim3A_237, %broadcast_in_dim3A_238 : vector<512x300xi1>, vector<512x300xf32>
      %reduce_sum3A_240 = arith.constant dense<0.000000e+00> : vector<512xf32>
      %reduce_sum3A_241 = vector.multi_reduction <add>, %select_n3A_239, %reduce_sum3A_240 [1] : vector<512x300xf32> to vector<512xf32>
      %broadcast_in_dim3A_242 = vector.shape_cast %reduce_sum3A_241 : vector<512xf32> to vector<512x1xf32>
      %gt3A_243 = arith.constant 0.000000e+00 : f32
      %gt3A_244 = vector.broadcast %gt3A_243 : f32 to vector<512x1xf32>
      %gt3A_245 = arith.cmpf ogt, %broadcast_in_dim3A_242, %gt3A_244 : vector<512x1xf32>
      %max3A_246 = arith.constant 1.000000e+00 : f32
      %max3A_247 = vector.broadcast %max3A_246 : f32 to vector<512x1xf32>
      %max3A_248 = arith.maximumf %broadcast_in_dim3A_242, %max3A_247 : vector<512x1xf32>
      %div3A_249 = arith.divf %broadcast_in_dim3A_234, %max3A_248 : vector<512x1xf32>
      %slice3A_250 = vector.extract_strided_slice %while3A_11 {offsets = [0, 6], sizes = [512, 1], strides = [1, 1]} : vector<512x7xf32> to vector<512x1xf32>
      %select_n3A_251 = arith.select %gt3A_245, %div3A_249, %slice3A_250 : vector<512x1xi1>, vector<512x1xf32>
      %concatenate3A = tpu.concatenate %select_n3A_95, %select_n3A_121, %select_n3A_147, %select_n3A_173, %select_n3A_199, %select_n3A_225, %select_n3A_251 in 1 : vector<512x1xf32>, vector<512x1xf32>, vector<512x1xf32>, vector<512x1xf32>, vector<512x1xf32>, vector<512x1xf32>, vector<512x1xf32> -> vector<512x7xf32>
      %eq3A_252 = arith.cmpf oeq, %concatenate3A, %while3A_11 : vector<512x7xf32>
      %reduce_and3A = arith.constant 1.000000e+00 : f32
      %reduce_and3A_253 = arith.constant 0.000000e+00 : f32
      %reduce_and3A_254 = vector.broadcast %reduce_and3A : f32 to vector<512x7xf32>
      %reduce_and3A_255 = vector.broadcast %reduce_and3A_253 : f32 to vector<512x7xf32>
      %reduce_and3A_256 = arith.select %eq3A_252, %reduce_and3A_254, %reduce_and3A_255 : vector<512x7xi1>, vector<512x7xf32>
      %reduce_and3A_257 = vector.shape_cast %reduce_and3A_256 : vector<512x7xf32> to vector<1x512x7xf32>
      %reduce_and3A_258 = arith.constant dense<0x7F800000> : vector<1xf32>
      %reduce_and3A_259 = vector.multi_reduction <minimumf>, %reduce_and3A_257, %reduce_and3A_258 [1, 2] : vector<1x512x7xf32> to vector<1xf32>
      %reduce_and3A_260 = vector.shape_cast %reduce_and3A_259 : vector<1xf32> to vector<1x1x1xf32>
      %reduce_and3A_261 = vector.extract %reduce_and3A_260[0, 0, 0] : f32 from vector<1x1x1xf32>
      %reduce_and3A_262 = arith.constant 0.000000e+00 : f32
      %reduce_and3A_263 = arith.cmpf ogt, %reduce_and3A_261, %reduce_and3A_262 : f32
      %add3A = arith.constant 1 : i32
      %add3A_264 = arith.addi %while3A_10, %add3A : i32
      scf.yield %add3A_264, %concatenate3A, %select_n3A_74, %reduce_and3A_263 : i32, vector<512x7xf32>, vector<512x300xi32>, i1
    }
    %swap3A = arith.constant 0 : index
    %swap3A_8 = arith.constant 0 : index
    %swap3A_9 = vector.load %arg2[%swap3A, %swap3A_8] : memref<512x300xi32, #tpu.memory_space<vmem>>, vector<512x300xi32>
    tpu.vector_store %arg2[%swap3A, %swap3A_8], %while3A_7#2 {strides = array<i32>} : memref<512x300xi32, #tpu.memory_space<vmem>>, vector<512x300xi32>,
    return
  }
}

module attributes {stable_mosaic.version = 14 : i64} {
  func.func @_onehot_body(%arg0: memref<768x300xi32, #tpu.memory_space<vmem>>, %arg1: memref<7x768x300xf32, #tpu.memory_space<vmem>>) attributes {dimension_semantics = [], scalar_prefetch = 0 : i64, scratch_operands = 0 : i64, tpu.core_type = #tpu.core_type<tc>} {
    %get3A = arith.constant 0 : index
    %get3A_0 = arith.constant 0 : index
    %get3A_1 = vector.load %arg0[%get3A, %get3A_0] : memref<768x300xi32, #tpu.memory_space<vmem>>, vector<768x300xi32>
    %eq3A = arith.constant 0 : i32
    %eq3A_2 = vector.broadcast %eq3A : i32 to vector<768x300xi32>
    %eq3A_3 = arith.cmpi eq, %get3A_1, %eq3A_2 : vector<768x300xi32>
    %convert_element_type3A = arith.extui %eq3A_3 : vector<768x300xi1> to vector<768x300xi32>
    %convert_element_type3A_4 = arith.sitofp %convert_element_type3A : vector<768x300xi32> to vector<768x300xf32>
    %swap3A = arith.constant 0 : index
    %swap3A_5 = arith.constant 0 : index
    %swap3A_6 = arith.constant 0 : index
    %swap3A_7 = vector.load %arg1[%swap3A, %swap3A_5, %swap3A_6] : memref<7x768x300xf32, #tpu.memory_space<vmem>>, vector<1x768x300xf32>
    %swap3A_8 = vector.shape_cast %swap3A_7 : vector<1x768x300xf32> to vector<768x300xf32>
    %swap3A_9 = vector.shape_cast %convert_element_type3A_4 : vector<768x300xf32> to vector<1x768x300xf32>
    tpu.vector_store %arg1[%swap3A, %swap3A_5, %swap3A_6], %swap3A_9 {strides = array<i32>} : memref<7x768x300xf32, #tpu.memory_space<vmem>>, vector<1x768x300xf32>,
    %eq3A_10 = arith.constant 1 : i32
    %eq3A_11 = vector.broadcast %eq3A_10 : i32 to vector<768x300xi32>
    %eq3A_12 = arith.cmpi eq, %get3A_1, %eq3A_11 : vector<768x300xi32>
    %convert_element_type3A_13 = arith.extui %eq3A_12 : vector<768x300xi1> to vector<768x300xi32>
    %convert_element_type3A_14 = arith.sitofp %convert_element_type3A_13 : vector<768x300xi32> to vector<768x300xf32>
    %swap3A_15 = arith.constant 1 : index
    %swap3A_16 = arith.constant 0 : index
    %swap3A_17 = arith.constant 0 : index
    %swap3A_18 = vector.load %arg1[%swap3A_15, %swap3A_16, %swap3A_17] : memref<7x768x300xf32, #tpu.memory_space<vmem>>, vector<1x768x300xf32>
    %swap3A_19 = vector.shape_cast %swap3A_18 : vector<1x768x300xf32> to vector<768x300xf32>
    %swap3A_20 = vector.shape_cast %convert_element_type3A_14 : vector<768x300xf32> to vector<1x768x300xf32>
    tpu.vector_store %arg1[%swap3A_15, %swap3A_16, %swap3A_17], %swap3A_20 {strides = array<i32>} : memref<7x768x300xf32, #tpu.memory_space<vmem>>, vector<1x768x300xf32>,
    %eq3A_21 = arith.constant 2 : i32
    %eq3A_22 = vector.broadcast %eq3A_21 : i32 to vector<768x300xi32>
    %eq3A_23 = arith.cmpi eq, %get3A_1, %eq3A_22 : vector<768x300xi32>
    %convert_element_type3A_24 = arith.extui %eq3A_23 : vector<768x300xi1> to vector<768x300xi32>
    %convert_element_type3A_25 = arith.sitofp %convert_element_type3A_24 : vector<768x300xi32> to vector<768x300xf32>
    %swap3A_26 = arith.constant 2 : index
    %swap3A_27 = arith.constant 0 : index
    %swap3A_28 = arith.constant 0 : index
    %swap3A_29 = vector.load %arg1[%swap3A_26, %swap3A_27, %swap3A_28] : memref<7x768x300xf32, #tpu.memory_space<vmem>>, vector<1x768x300xf32>
    %swap3A_30 = vector.shape_cast %swap3A_29 : vector<1x768x300xf32> to vector<768x300xf32>
    %swap3A_31 = vector.shape_cast %convert_element_type3A_25 : vector<768x300xf32> to vector<1x768x300xf32>
    tpu.vector_store %arg1[%swap3A_26, %swap3A_27, %swap3A_28], %swap3A_31 {strides = array<i32>} : memref<7x768x300xf32, #tpu.memory_space<vmem>>, vector<1x768x300xf32>,
    %eq3A_32 = arith.constant 3 : i32
    %eq3A_33 = vector.broadcast %eq3A_32 : i32 to vector<768x300xi32>
    %eq3A_34 = arith.cmpi eq, %get3A_1, %eq3A_33 : vector<768x300xi32>
    %convert_element_type3A_35 = arith.extui %eq3A_34 : vector<768x300xi1> to vector<768x300xi32>
    %convert_element_type3A_36 = arith.sitofp %convert_element_type3A_35 : vector<768x300xi32> to vector<768x300xf32>
    %swap3A_37 = arith.constant 3 : index
    %swap3A_38 = arith.constant 0 : index
    %swap3A_39 = arith.constant 0 : index
    %swap3A_40 = vector.load %arg1[%swap3A_37, %swap3A_38, %swap3A_39] : memref<7x768x300xf32, #tpu.memory_space<vmem>>, vector<1x768x300xf32>
    %swap3A_41 = vector.shape_cast %swap3A_40 : vector<1x768x300xf32> to vector<768x300xf32>
    %swap3A_42 = vector.shape_cast %convert_element_type3A_36 : vector<768x300xf32> to vector<1x768x300xf32>
    tpu.vector_store %arg1[%swap3A_37, %swap3A_38, %swap3A_39], %swap3A_42 {strides = array<i32>} : memref<7x768x300xf32, #tpu.memory_space<vmem>>, vector<1x768x300xf32>,
    %eq3A_43 = arith.constant 4 : i32
    %eq3A_44 = vector.broadcast %eq3A_43 : i32 to vector<768x300xi32>
    %eq3A_45 = arith.cmpi eq, %get3A_1, %eq3A_44 : vector<768x300xi32>
    %convert_element_type3A_46 = arith.extui %eq3A_45 : vector<768x300xi1> to vector<768x300xi32>
    %convert_element_type3A_47 = arith.sitofp %convert_element_type3A_46 : vector<768x300xi32> to vector<768x300xf32>
    %swap3A_48 = arith.constant 4 : index
    %swap3A_49 = arith.constant 0 : index
    %swap3A_50 = arith.constant 0 : index
    %swap3A_51 = vector.load %arg1[%swap3A_48, %swap3A_49, %swap3A_50] : memref<7x768x300xf32, #tpu.memory_space<vmem>>, vector<1x768x300xf32>
    %swap3A_52 = vector.shape_cast %swap3A_51 : vector<1x768x300xf32> to vector<768x300xf32>
    %swap3A_53 = vector.shape_cast %convert_element_type3A_47 : vector<768x300xf32> to vector<1x768x300xf32>
    tpu.vector_store %arg1[%swap3A_48, %swap3A_49, %swap3A_50], %swap3A_53 {strides = array<i32>} : memref<7x768x300xf32, #tpu.memory_space<vmem>>, vector<1x768x300xf32>,
    %eq3A_54 = arith.constant 5 : i32
    %eq3A_55 = vector.broadcast %eq3A_54 : i32 to vector<768x300xi32>
    %eq3A_56 = arith.cmpi eq, %get3A_1, %eq3A_55 : vector<768x300xi32>
    %convert_element_type3A_57 = arith.extui %eq3A_56 : vector<768x300xi1> to vector<768x300xi32>
    %convert_element_type3A_58 = arith.sitofp %convert_element_type3A_57 : vector<768x300xi32> to vector<768x300xf32>
    %swap3A_59 = arith.constant 5 : index
    %swap3A_60 = arith.constant 0 : index
    %swap3A_61 = arith.constant 0 : index
    %swap3A_62 = vector.load %arg1[%swap3A_59, %swap3A_60, %swap3A_61] : memref<7x768x300xf32, #tpu.memory_space<vmem>>, vector<1x768x300xf32>
    %swap3A_63 = vector.shape_cast %swap3A_62 : vector<1x768x300xf32> to vector<768x300xf32>
    %swap3A_64 = vector.shape_cast %convert_element_type3A_58 : vector<768x300xf32> to vector<1x768x300xf32>
    tpu.vector_store %arg1[%swap3A_59, %swap3A_60, %swap3A_61], %swap3A_64 {strides = array<i32>} : memref<7x768x300xf32, #tpu.memory_space<vmem>>, vector<1x768x300xf32>,
    %eq3A_65 = arith.constant 6 : i32
    %eq3A_66 = vector.broadcast %eq3A_65 : i32 to vector<768x300xi32>
    %eq3A_67 = arith.cmpi eq, %get3A_1, %eq3A_66 : vector<768x300xi32>
    %convert_element_type3A_68 = arith.extui %eq3A_67 : vector<768x300xi1> to vector<768x300xi32>
    %convert_element_type3A_69 = arith.sitofp %convert_element_type3A_68 : vector<768x300xi32> to vector<768x300xf32>
    %swap3A_70 = arith.constant 6 : index
    %swap3A_71 = arith.constant 0 : index
    %swap3A_72 = arith.constant 0 : index
    %swap3A_73 = vector.load %arg1[%swap3A_70, %swap3A_71, %swap3A_72] : memref<7x768x300xf32, #tpu.memory_space<vmem>>, vector<1x768x300xf32>
    %swap3A_74 = vector.shape_cast %swap3A_73 : vector<1x768x300xf32> to vector<768x300xf32>
    %swap3A_75 = vector.shape_cast %convert_element_type3A_69 : vector<768x300xf32> to vector<1x768x300xf32>
    tpu.vector_store %arg1[%swap3A_70, %swap3A_71, %swap3A_72], %swap3A_75 {strides = array<i32>} : memref<7x768x300xf32, #tpu.memory_space<vmem>>, vector<1x768x300xf32>,
    return
  }
}

</mosaic_0001>

<sc_bundles>
// kernel: gather_offload_async_start
scs
__scs_entry_jumppad:
0x0: {  	(pc) =	sbr.rel $0x88, $3  }
0x1: {  	(tag) =	ssettag $0x0;
	lr =	simm.s32 $0x1  }
0x2: {  	[smem:$0x3F9F] =	sst lr;
	_ =	strace $0xD0000000  }
0x3: {  	_ = 	snop  }
0x4: {  	_ = 	snop  }
0x5: {  	_ = 	snop  }
0x6: {  	_ = 	snop  }
0x7: {  	_ = 	snop  }
__scs_overlays_trampoline_lowered:
0x8: {  	[smem:$0x3FAE] =	sst s0  }
0x9: {  	[smem:$0x3FAF] =	sst s1  }
0xa: {  	[smem:$0x3FB0] =	sst s2  }
0xb: {  	[smem:$0x3FB1] =	sst s3  }
0xc: {  	[smem:$0x3FB2] =	sst s4  }
0xd: {  	[smem:$0x3FB3] =	sst s5  }
0xe: {  	[smem:$0x3FB4] =	sst s6  }
0xf: {  	[smem:$0x3FB5] =	sst s7  }
0x10: {  	[smem:$0x3FB6] =	sst s8  }
0x11: {  	[smem:$0x3FB7] =	sst s9;
	s0 =	simm.s32 @!p0 $0x0  }
0x12: {  	s1 =	sld [smem:$0x3F9D];
	s0 =	simm.s32 @p0 $0x1  }
0x13: {  	[smem:$0x3FB8] =	sst s0;
	s0 =	simm.s32 @!p1 $0x0  }
0x14: {  	s2 =	sld [smem:$0x3F9C];
	s0 =	simm.s32 @p1 $0x1  }
0x15: {  	[smem:$0x3FB9] =	sst s0;
	s0 =	simm.s32 @!p2 $0x0  }
0x16: {  	s3 =	sld [smem:$0x3FDB];
	s0 =	simm.s32 @p2 $0x1  }
0x17: {  	s4 =	simm.s32 $0x1BF5;
	[smem:$0x3FBB] =	sst s0  }
0x18: {  	s0 =	sld [smem:$0x3F9E];
	_ =	swait.ge [sflag:s4], $0x0  }
0x19: {  	s7 =	sld [smem:$0x3F9F]  }
0x1a: {  	s8 =	sadd.s32 $0xFFFFE003, lr  }
0x1b: {  	s9 =	sadd.s32 $0xFFFFFEF7, lr;
	s5 =	simm.s32 $0xFFFFFFFF;
	p2 =	slt.u32 s8, $0xFFFFF086  }
0x1c: {  	p1 =	slt.u32 s9, $0xF7A;
	s5 =	simm.s32 @!p2 $0x0  }
0x1d: {  	s5 =	simm.s32 @p1 $0x1;
	p0 =	seq.s32 s7, s2  }
0x1e: {  	s7 =	smul.u32 @!p0 $0xF7A, s2;
	p2 =	seq.s32 @!p0 s5, $0x0  }
0x1f: {  	s9 =	smul.u32 $0xF7A, s1;
	s8 =	simm.s32 @!p0 $0x1BF5;
	p2 =	por !p2, p0  }
0x20: {  	[sflag:s8] =	ssyncset.s32 @!p0 $0xFFFFF086;
	s6 =	sadd.s32 @!p0 s3, s7;
	s7 =	simm.s32 @!p0 $0x108  }
0x21: {  	s3 =	sadd.s32 s3, s9;
	s6 =	sadd.s32 @!p0 $0x88, s6;
	s7 =	simm.s32 @p2 $0x1082  }
0x22: {  	[simem:s7], [sflag:s8] =	dma.local @!p0 [hbm:s6], $0xF7A  }
0x23: {  	s9 =	sor.u32 $0xD0000000, s2;
	s6 =	simm.s32 $0x108;
	_ =	swait.ge @!p0 [sflag:s8], $0x0  }
0x24: {  	s3 =	sadd.s32 $0x88, s3;
	s6 =	simm.s32 @!p1 $0x1082;
	[sflag:s4] =	ssyncset.s32 $0xFFFFF086  }
0x25: {  	[simem:s6], [sflag:s4] =	dma.local [hbm:s3], $0xF7A  }
0x26: {  	[smem:$0x3F9F] =	sst s1;
	(tag) =	ssettag s2;
	_ =	strace s9  }
0x27: {  	s1 =	sld [smem:$0x3FAF]  }
0x28: {  	s2 =	sld [smem:$0x3FB0]  }
0x29: {  	s4 =	sld [smem:$0x3FB2]  }
0x2a: {  	p0 =	seq.s32 s5, $0x0;
	s5 =	sld [smem:$0x3FB3]  }
0x2b: {  	s6 =	sld [smem:$0x3FB4]  }
0x2c: {  	s7 =	sld [smem:$0x3FB5]  }
0x2d: {  	s3 =	simm.s32 $0x108;
	s8 =	sld [smem:$0x3FB6]  }
0x2e: {  	s3 =	simm.s32 @!p0 $0x1082;
	s9 =	sld [smem:$0x3FB7]  }
0x2f: {  	lr =	sadd.s32 s0, s3;
	s0 =	sld [smem:$0x3FAE]  }
0x30: {  	s3 =	sld [smem:$0x3FB1]  }
0x31: {  	[smem:$0x3FBA] =	sst s10  }
0x32: {  	s10 =	sld [smem:$0x3FB8];
	_ =	sdelay $0x3  }
0x33: {  	p0 =	seq.s32 s10, $0x1;
	s10 =	sld [smem:$0x3FBA];
	_ =	sdelay $0x3  }
0x34: {  	[smem:$0x3FBA] =	sst s10  }
0x35: {  	s10 =	sld [smem:$0x3FB9];
	_ =	sdelay $0x3  }
0x36: {  	p1 =	seq.s32 s10, $0x1;
	s10 =	sld [smem:$0x3FBA];
	_ =	sdelay $0x3  }
0x37: {  	[smem:$0x3FBA] =	sst s10  }
0x38: {  	s10 =	sld [smem:$0x3FBB]  }
0x39: {  	_ = 	snop;
	(pc) =	sbr.ind lr, $3  }
0x3a: {  	_ = 	snop  }
0x3b: {  	_ = 	snop  }
0x3c: {  	p2 =	seq.s32 s10, $0x1;
	s10 =	sld [smem:$0x3FBA]  }
0x3d: {  	_ =	shalt  }
0x3e: {  	_ =	shalt  }
0x3f: {  	_ =	shalt  }
0x40: {  	_ =	shalt  }
0x41: {  	_ =	shalt  }
0x42: {  	_ =	shalt  }
0x43: {  	_ =	shalt  }
0x44: {  	_ =	shalt  }
0x45: {  	_ =	shalt  }
0x46: {  	_ =	shalt  }
0x47: {  	_ =	shalt  }
0x48: {  	_ =	shalt  }
0x49: {  	_ =	shalt  }
0x4a: {  	_ =	shalt  }
0x4b: {  	_ =	shalt  }
0x4c: {  	_ =	shalt  }
0x4d: {  	_ =	shalt  }
0x4e: {  	_ =	shalt  }
0x4f: {  	_ =	shalt  }
0x50: {  	_ =	shalt  }
0x51: {  	_ =	shalt  }
0x52: {  	_ =	shalt  }
0x53: {  	_ =	shalt  }
0x54: {  	_ =	shalt  }
0x55: {  	_ =	shalt  }
0x56: {  	_ =	shalt  }
0x57: {  	_ =	shalt  }
0x58: {  	_ =	shalt  }
0x59: {  	_ =	shalt  }
0x5a: {  	_ =	shalt  }
0x5b: {  	_ =	shalt  }
0x5c: {  	_ =	shalt  }
0x5d: {  	_ =	shalt  }
0x5e: {  	_ =	shalt  }
0x5f: {  	_ =	shalt  }
0x60: {  	_ =	shalt  }
0x61: {  	_ =	shalt  }
0x62: {  	_ =	shalt  }
0x63: {  	_ =	shalt  }
0x64: {  	_ =	shalt  }
0x65: {  	_ =	shalt  }
0x66: {  	_ =	shalt  }
0x67: {  	_ =	shalt  }
0x68: {  	_ =	shalt  }
0x69: {  	_ =	shalt  }
0x6a: {  	_ =	shalt  }
0x6b: {  	_ =	shalt  }
0x6c: {  	_ =	shalt  }
0x6d: {  	_ =	shalt  }
0x6e: {  	_ =	shalt  }
0x6f: {  	_ =	shalt  }
0x70: {  	_ =	shalt  }
0x71: {  	_ =	shalt  }
0x72: {  	_ =	shalt  }
0x73: {  	_ =	shalt  }
0x74: {  	_ =	shalt  }
0x75: {  	_ =	shalt  }
0x76: {  	_ =	shalt  }
0x77: {  	_ =	shalt  }
0x78: {  	_ =	shalt  }
0x79: {  	_ =	shalt  }
0x7a: {  	_ =	shalt  }
0x7b: {  	_ =	shalt  }
0x7c: {  	_ =	shalt  }
0x7d: {  	_ =	shalt  }
0x7e: {  	_ =	shalt  }
0x7f: {  	_ =	shalt  }
0x80: {  	_ =	shalt  }
0x81: {  	_ =	shalt  }
0x82: {  	_ =	shalt  }
0x83: {  	_ =	shalt  }
0x84: {  	_ =	shalt  }
0x85: {  	_ =	shalt  }
0x86: {  	_ =	shalt  }
0x87: {  	_ =	shalt  }
.Lfunc_end0:
.L_simem_size_0:
called_computation_lowered:
.L_overlay_start_0:
0x88: {  	s2 =	sld [smem:$0x3FD9]  }
0x89: {  	s3 =	sld [smem:$0x3FFE];
	_ =	sdelay $0x1  }
0x8a: {  	s1 =	srdreg.scid  }
0x8b: {  	s0 =	sand.u32 $0x1, s1  }
0x8c: {  	s17 =	sshll.u32 s0, $0xA;
	s2 =	sadd.s32 s3, s2  }
0x8d: {  	s2 =	sadd.s32 s2, s17  }
0x8e: {  	[smem:$0x3FC6] =	sst s2  }
0x8f: {  	_ = 	snop  }
0x90: {  	s2 =	sld [smem:$0x3FD0];
	(tm) =	ssettm $0x1  }
0x91: {  	s18 =	sld [smem:$0x3FFB];
	_ =	sdelay $0x3  }
0x92: {  	_ =	strace s18  }
0x93: {  	s3 =	sld [smem:$0x3FFC];
	_ =	sdelay $0x3  }
0x94: {  	_ =	strace s3  }
0x95: {  	s3 =	sld [smem:$0x3FFD];
	_ =	sdelay $0x3  }
0x96: {  	_ =	strace s3  }
0x97: {  	_ =	strace $0x8FFFFFFF  }
0x98: {  	s19 =	sld [smem:$0x3FDB];
	_ =	sdelay $0x1  }
0x99: {  	s4 =	simm.s32 $_scs_section_size  }
0x9a: {  	s5 =	simm.s32 $_size__tile_overlayer_lowered;
	s6 =	simm.s32 $_tile_overlayer_lowered  }
0x9b: {  	s22 =	simm.s32 $0x1BFF;
	s21 =	sshll.u32 s6, $0x1;
	s3 =	sadd.s32 s4, s19  }
0x9c: {  	s7 =	simm.s32 $0x0;
	s20 =	sshll.u32 s5, $0x1;
	s5 =	sadd.s32 s21, s3  }
0x9d: {  	[timem:s7], [sflag:s22] =	dma.local [hbm:s5], s20  }
0x9e: {  	_ =	swait.ge [sflag:s22], s20  }
0x9f: {  	s4 =	ssub.s32 $0x0, s20;
	[sflag:s22] =	ssyncset.done $0x0  }
0xa0: {  	[sflag:s22] =	ssyncadd.s32 s4;
	_ =	sdelay $0x1  }
0xa1: {  	s23 =	simm.s32 $0x1B8B  }
0xa2: {  	_ =	swait.ge [sflag:s23], $0x1  }
0xa3: {  	[sflag:s23] =	ssyncset.done $0x0  }
0xa4: {  	s25 =	simm.s32 $0x1B8E;
	s24 =	sld [smem:$0x3FFE];
	[sflag:s23] =	ssyncadd.s32 $0xFFFFFFFF  }
0xa5: {  	s26 =	simm.s32 $execute0_lowered;
	[smem:$0x3FD2] =	sst s25  }
0xa6: {  	s5 =	sshll.u32 s26, $0x1;
	_ =	strace $0x80000046;
	[dreg:$0x1] =	wrdreg $0xFFFFFFFF  }
0xa7: {  	s28 =	simm.s32 $_size_execute0_lowered;
	s3 =	sadd.s32 s3, s5;
	[dreg:$0x0] =	wrdreg $0x0  }
0xa8: {  	s5 =	sshll.u32 s28, $0x1;
	[dreg:$0x2] =	wrdreg s3  }
0xa9: {  	[dreg:$0x3] =	wrdreg s5  }
0xaa: {  	[dreg:$0x4] =	wrdreg $0xC0  }
0xab: {  	_ =	task [dreg:s7], $0x5FFFF  }
0xac: {  	[dreg:$0x1] =	wrdreg $0xFFFFFFFF  }
0xad: {  	[dreg:$0x0] =	wrdreg $0x60  }
0xae: {  	[dreg:$0x2] =	wrdreg s2  }
0xaf: {  	[dreg:$0x3] =	wrdreg s24  }
0xb0: {  	[dreg:$0x4] =	wrdreg $0x9  }
0xb1: {  	_ =	task.clear_ibuf [dreg:s7], $0x5FFFF;
	_ =	strace $0x90000046  }
0xb2: {  	s29 =	simm.s32 $0x9;
	_ =	strace $0x80000048  }
0xb3: {  	_ =	swait.ge [sflag:s29], $0x1  }
0xb4: {  	[sflag:s29] =	ssyncadd.s32 $0xFFFFFFFF  }
0xb5: {  	_ =	strace $0x90000048  }
0xb6: {  	_ =	sfence  }
0xb7: {  	s30 =	sld [smem:$0x0];
	_ =	sdelay $0x2  }
0xb8: {  	s31 =	sshll.u32 s1, $0xD;
	s1 =	sshrl.u32 s1, $0x2  }
0xb9: {  	s3 =	sand.u32 $0x4000, s31;
	s1 =	sadd.s32 s1, s30  }
0xba: {  	s0 =	sor.u32 s3, s0;
	s1 =	sshll.u32 s1, $0x11  }
0xbb: {  	s0 =	sor.u32 s1, s0  }
0xbc: {  	s0 =	sadd.s32 $0x8F2B, s0  }
0xbd: {  	[sflag:s0] =	ssyncadd.remote.s32 $0x1  }
0xbe: {  	_ =	sfence.sel $0xFFFF  }
0xbf: {  	[dreg:$0x0] =	wrdreg $0xFFFFFFFF;
	(pc) =	sbr.abs _section_cstart, $3  }
0xc0: {  	[dreg:$0x1] =	wrdreg $0xFFFFFFFF  }
0xc1: {  	_ =	task.clear_ibuf [dreg:s7], $0x2FFFF;
	_ =	strace $0x9FFFFFFF  }
0xc2: {  	(tm) =	ssettm $0x7FFFFFFF  }
0xc3: {  	_ =	shalt  }
tec
execute0_lowered:
.L_overlay_start_1:
0x0: {  	(tag) =	ssettag $0x1  }
0x1: {  	s1 =	srdreg.scid;
	s2 =	rddreg [dreg:$0x0]  }
0x2: {  	s0 =	stileid.u32;
	s5 =	rddreg [dreg:$0x1];
	s6 =	simm.s32 $0x1  }
0x3: {  	s9 =	simm.s32 $0x1;
	s10 =	simm.s32 $0x3;
	s1 =	sshll.u32 s1, $0x7  }
0x4: {  	s13 =	simm.s32 $0x0;
	s3 =	sshll.u32 s0, $0x8;
	s4 =	sand.u32 $0x80, s1  }
0x5: {  	s12 =	simm.s32 $0x0;
	s1 =	rddreg [dreg:$0x2];
	s3 =	sor.u32 s3, s4  }
0x6: {  	_ =	strace $0x80000047;
	s4 =	sadd.s32 $0x14400, s5;
	s8 =	ssub.s32 $0x1500, s3  }
.Ltmp0:
0x7: {  	s5 =	sadd.s32 $0x14800, s5;
	s7 =	sand.u32 $0xF80, s8;
	(pc) =	sbr.rel .LBB2_1-.Ltmp0, $4  }
0x8: {  	[sflag:s6] =	ssyncpa.u1 $0x0;
	s11 =	smov.u32 s3;
	p0 =	sne.s32 s7, $0x0  }
0x9: {  	s8 =	sshrl.u32 s8, $0xC;
	s7 =	simm.s32 $0x2;
	s9 =	simm.s32 @!p0 $0x0  }
0xa: {  	[sflag:s7] =	ssyncpa.u1 $0x0;
	p0 =	por $0x0, $0x0;
	s8 =	sadd.s32 s9, s8  }
0xb: {  	vm0 =	vmmov $0xffff;
	[sflag:s10] =	ssyncpa.u1 $0x0;
	s10 =	simm.s32 $0x0;
	s9 =	sadd.s32 $0x1, s8  }
.LBB2_4:
0xc: {  	vm1 =	veq.s32 v4, $0x80000000;
	v56 =	vand.u32 $0x3FF, v4;
	v6 =	vand.u32 $0x1FF, v6  }
0xd: {  	v2 =	vor.u32 v2, v5;
	v59 =	vshrl.u32 v1, $0xA;
	v60 =	vand.u32 $0x3FF, v1  }
0xe: {  	v4 =	vsel vm1, $0xFFFFFFFF, v56;
	v6 =	vsel vm1, $0xFFFFFFFF, v6;
	v2 =	vor.u32 v3, v2  }
0xf: {  	vm1 =	veq.s32 v1, $0x80000000;
	v5 =	vand.u32 $0x1FF, v59;
	v7 =	vshrl.u32 v4, $0x3  }
0x10: {  	v57 =	vshll.u32 v6, $0x3;
	v4 =	vshll.u32 v4, $0x7;
	v1 =	vsel vm1, $0xFFFFFFFF, v60  }
0x11: {  	v5 =	vsel vm1, $0xFFFFFFFF, v5;
	v6 =	vand.u32 $0x7F, v6;
	v7 =	vmul.u32 $0xC00, v7  }
0x12: {  	v58 =	vand.u32 $0xFFFFFC00, v57;
	v4 =	vand.u32 $0x380, v4;
	v61 =	vshrl.u32 v1, $0x3  }
0x13: {  	v62 =	vshll.u32 v5, $0x3;
	v3 =	vadd.s32 v7, v58;
	v7 =	vmul.u32 $0xC00, v61  }
0x14: {  	v1 =	vshll.u32 v1, $0x7;
	v3 =	vor.u32 v4, v3;
	v4 =	vand.u32 $0xFFFFFC00, v62  }
0x15: {  	v1 =	vand.u32 $0x380, v1;
	v3 =	vor.u32 v6, v3;
	v4 =	vadd.s32 v7, v4  }
0x16: {  	[tilespmem:s16], [sflag:$0x1] =	stream.indirect_vreg.gather [hbm4b:s2+s10], $0x1, v0, vm0, $0x4038;
	v63 =	vand.u32 $0x7F, v5;
	v1 =	vor.u32 v1, v4;
	[tilespmem:$0x200] =	vst v63  }
0x17: {  	s15 =	sadd.s32 $0x10, s15;
	(ifvalue) =	ssetifvalue $0x7FFFFFFF;
	v0 =	vor.u32 v63, v1  }
0x18: {  	[tilespmem:s15], [sflag:$0x1] =	stream.indirect_vreg.gather [hbm4b:s2+s10], $0x1, v2, vm0, $0x4038;
	[tilespmem:$0x200] =	vst v63  }
0x19: {  	s15 =	sadd.s32 $0x10, s15;
	(ifvalue) =	ssetifvalue $0x7FFFFFFF  }
0x1a: {  	[tilespmem:s15], [sflag:$0x1] =	stream.indirect_vreg.gather [hbm4b:s2+s10], $0x1, v3, vm0, $0x4038;
	[tilespmem:$0x200] =	vst v63  }
0x1b: {  	s15 =	sadd.s32 $0x10, s15;
	(ifvalue) =	ssetifvalue $0x7FFFFFFF  }
0x1c: {  	[tilespmem:s15], [sflag:$0x1] =	stream.indirect_vreg.gather [hbm4b:s2+s10], $0x1, v0, vm0, $0x4038;
	[tilespmem:$0x200] =	vst v63  }
0x1d: {  	_ =	swait.ge [sflag:s6], $0x80  }
0x1e: {  	s30 =	sshrl.u32 s13, $0x3;
	[sflag:s6] =	ssyncset.done $0x0  }
0x1f: {  	s31 =	sand.u32 $0x7, s13;
	s15 =	sadd.s32 s5, s30;
	[sflag:s6] =	ssyncadd.s32 $0xFFFFFF80  }
0x20: {  	[hbm4b:s15+s31] =	stream.linear.scatter [tilespmem:s14], [sflag:$0x3], $0x80, $0x38;
	[tilespmem:$0x200] =	vst v63  }
.LBB2_5:
0x21: {  	s15 =	sadd.s32 $0x1000, s11  }
0x22: {  	p2 =	sgt.s32 s15, $0x14FF  }
0x23: {  	s15 =	smov.u32 @p2 s3;
	p2 =	sne.s32 s12, s9  }
.Ltmp1:
0x24: {  	p1 =	slt.u32 s12, $0x2;
	(pc) =	sbr.rel @!p2 .LBB2_6-.Ltmp1, $4  }
0x25: {  	s14 =	simm.s32 @!p1 $0x3  }
0x26: {  	s16 =	sadd.s32 $0x1, s12;
	_ =	swait.ge @!p1 [sflag:s14], $0x80  }
0x27: {  	s13 =	smov.u32 s11;
	p0 =	por !p0, !p0;
	[sflag:s14] =	ssyncset.done @!p1 $0x0  }
0x28: {  	s12 =	smov.u32 s16;
	s11 =	smov.u32 s15;
	[sflag:s14] =	ssyncadd.s32 @!p1 $0xFFFFFF80  }
.LBB2_1:
0x29: {  	p1 =	sge.u32 s12, s8  }
0x2a: {  	s14 =	sxor.u32 @!p1 $0xFFFFFFFF, s12  }
0x2b: {  	s31 =	sadd.s32 $0xFFFFFFFF, s12;
	s15 =	sshrl.u32 @!p1 s11, $0x3;
	s14 =	sshll.u32 @!p1 s14, $0x7  }
0x2c: {  	s16 =	sand.u32 @!p1 $0x7, s11;
	s15 =	sadd.s32 @!p1 s4, s15;
	s14 =	sand.u32 @!p1 $0x80, s14  }
0x2d: {  	[tilespmem:s14], [sflag:$0x2] =	stream.linear.gather @!p1 [hbm4b:s15+s16], $0x80, $0x38;
	[tilespmem:$0x200] =	vst v63  }
0x2e: {  	p1 =	sge.u32 s31, s8  }
.Ltmp2:
0x2f: {  	_ = 	snop;
	(pc) =	sbr.rel @p1 .LBB2_5-.Ltmp2, $1  }
0x30: {  	_ =	sdelay $0x3  }
0x31: {  	s14 =	simm.s32 $0x1  }
0x32: {  	_ =	swait.ge [sflag:s7], $0x80;
	s14 =	simm.s32 @!p0 $0x0  }
0x33: {  	[sflag:s7] =	ssyncset.done $0x0;
	s14 =	sshll.u32 s14, $0x7  }
0x34: {  	[sflag:s7] =	ssyncadd.s32 $0xFFFFFF80;
	(ifvalue) =	ssetifvalue $0x7FFFFFFF;
	v0 =	vld.msk [tilespmem:s14+$0x0 ss:$0x1], $0xffff  }
0x35: {  	s15 =	sadd.s32 $0x10, s14  }
0x36: {  	v1 =	vld.msk [tilespmem:s15+$0x0 ss:$0x1], $0xffff;
	_ =	sdelay $0x2  }
0x37: {  	v2 =	vshrl.u32 v0, $0xA  }
0x38: {  	vm1 =	veq.s32 v0, $0x80000000;
	v0 =	vand.u32 $0x3FF, v0;
	v2 =	vand.u32 $0x1FF, v2  }
0x39: {  	v0 =	vsel vm1, $0xFFFFFFFF, v0;
	v6 =	vshrl.u32 v1, $0xA;
	v2 =	vsel vm1, $0xFFFFFFFF, v2  }
0x3a: {  	v3 =	vshrl.u32 v0, $0x3;
	v0 =	vshll.u32 v0, $0x7;
	vm1 =	veq.s32 v1, $0x80000000  }
0x3b: {  	s15 =	sadd.s32 $0x10, s15;
	v1 =	vand.u32 $0x3FF, v1;
	v4 =	vshll.u32 v2, $0x3;
	v3 =	vmul.u32 $0xC00, v3  }
0x3c: {  	v0 =	vand.u32 $0x380, v0;
	v7 =	vand.u32 $0x7F, v2;
	v5 =	vand.u32 $0xFFFFFC00, v4;
	v4 =	vld.msk [tilespmem:s15+$0x0 ss:$0x1], $0xffff  }
0x3d: {  	v1 =	vsel vm1, $0xFFFFFFFF, v1;
	v2 =	vadd.s32 v3, v5;
	v3 =	vand.u32 $0x1FF, v6  }
0x3e: {  	v3 =	vsel vm1, $0xFFFFFFFF, v3;
	v0 =	vor.u32 v0, v2;
	v2 =	vshrl.u32 v1, $0x3  }
0x3f: {  	s16 =	sshll.u32 s12, $0x7;
	s18 =	simm.s32 $0x30;
	v1 =	vshll.u32 v1, $0x7;
	v5 =	vshll.u32 v3, $0x3;
	v8 =	vmul.u32 $0xC00, v2  }
0x40: {  	s31 =	sand.u32 $0x80, s16;
	s17 =	sadd.s32 $0x10, s15;
	s15 =	sor.u32 $0x100, s14;
	v2 =	vand.u32 $0x380, v1;
	v0 =	vor.u32 v7, v0;
	v5 =	vand.u32 $0xFFFFFC00, v5  }
0x41: {  	s14 =	sor.u32 $0x100, s31;
	s16 =	smov.u32 s15;
	v1 =	vld.msk [tilespmem:s17+$0x0 ss:$0x1], $0xffff;
	v3 =	vand.u32 $0x7F, v3;
	(ifvalue) =	ssetifvalue $0x7FFFFFFF;
	v6 =	vshrl.u32 v4, $0xA;
	v5 =	vadd.s32 v8, v5  }
.LBB2_3:
0x42: {  	s18 =	sadd.s32 $0x10, s18  }
0x43: {  	vm1 =	veq.s32 v4, $0x80000000;
	v4 =	vand.u32 $0x3FF, v4;
	v6 =	vand.u32 $0x1FF, v6;
	s15 =	sadd.s32 $0x10, s15;
	p1 =	slt.u32 s18, $0x70  }
.Ltmp3:
0x44: {  	v5 =	vor.u32 v2, v5;
	v4 =	vsel vm1, $0xFFFFFFFF, v4;
	v7 =	vsel vm1, $0xFFFFFFFF, v6;
	(pc) =	sbr.rel @p1 .LBB2_3-.Ltmp3, $4  }
0x45: {  	v2 =	vshrl.u32 v4, $0x3;
	v6 =	vshll.u32 v7, $0x3;
	v4 =	vshll.u32 v4, $0x7;
	[tilespmem:s16], [sflag:$0x1] =	stream.indirect_vreg.gather [hbm4b:s2+s10], $0x1, v0, vm0, $0x4038;
	[tilespmem:$0x200] =	vst v63  }
0x46: {  	v0 =	vor.u32 v3, v5;
	s16 =	smov.u32 s15;
	v8 =	vmul.u32 $0xC00, v2;
	v2 =	vand.u32 $0x380, v4  }
0x47: {  	s17 =	sadd.s32 $0x10, s17;
	v9 =	vand.u32 $0xFFFFFC00, v6  }
0x48: {  	v3 =	vand.u32 $0x7F, v7;
	v6 =	vshrl.u32 v1, $0xA;
	v5 =	vadd.s32 v8, v9;
	(ifvalue) =	ssetifvalue $0x7FFFFFFF;
	v4 =	vmovc v1;
	v1 =	vld.msk [tilespmem:s17+$0x0 ss:$0x1], $0xffff  }
.Ltmp4:
0x49: {  	_ = 	snop;
	(pc) =	sbr.rel .LBB2_4-.Ltmp4, $1  }
0x4a: {  	_ =	sdelay $0x3  }
.LBB2_6:
0x4b: {  	_ =	sfence.sel $0x180000  }
0x4c: {  	s2 =	simm.s32 $0x2;
	[bflag:$0x0] =	sbarrier.arrive $0xFFFF  }
0x4d: {  	s30 =	simm.s32 $0x3;
	[sflag:s2] =	ssyncpa.u1 $0x1  }
0x4e: {  	s31 =	simm.s32 $0x1;
	[sflag:s30] =	ssyncpa.u1 $0x1  }
0x4f: {  	[sflag:s31] =	ssyncpa.u1 $0x1  }
0x50: {  	p0 =	sne.s32 s0, $0x0;
	_ =	strace $0x90000047  }
0x51: {  	s0 =	sadd.s32 @!p0 $0x100000, s1;
	[bflag:$0x2] =	sbarrier.arrive $0xFFFF  }
0x52: {  	[sflag:s0] =	ssyncadd.tile.s32 @!p0 $0x1;
	_ =	shalt  }
.Lfunc_end2:
_tile_overlayer_lowered:
.L_overlay_start_2:
0x53: {  	(tag) =	ssettag $0x2  }
0x54: {  	s0 =	rddreg [dreg:$0x0];
	s2 =	stileid.u32  }
0x55: {  	s1 =	rddreg [dreg:$0x1];
	p0 =	sne.s32 s2, $0x0  }
0x56: {  	s3 =	rddreg [dreg:$0x2];
	[bflag:$0x3] =	sbarrier.arrive $0xFFFF;
	s2 =	simm.s32 @!p0 $0x1C01  }
0x57: {  	[timem:s3], [sflag:s2] =	dma.local @!p0 [hbm:s0], s1  }
0x58: {  	s0 =	simm.s32 @!p0 $0x1  }
0x59: {  	_ =	swait.ge @!p0 [sflag:s0], s1  }
0x5a: {  	s1 =	ssub.s32 @!p0 $0x0, s1;
	[sflag:s0] =	ssyncset.done @!p0 $0x0  }
0x5b: {  	[sflag:s0] =	ssyncadd.s32 @!p0 s1  }
0x5c: {  	[bflag:$0x3] =	sbarrier.arrive $0xFFFF  }
0x5d: {  	_ =	shalt  }

// kernel: kernel.5.cloned.1.call-start
scs
__scs_entry_jumppad:
0x0: {  	(pc) =	sbr.rel $0x88, $3  }
0x1: {  	(tag) =	ssettag $0x0;
	lr =	simm.s32 $0x1  }
0x2: {  	[smem:$0x3F9F] =	sst lr;
	_ =	strace $0xD0000000  }
0x3: {  	_ = 	snop  }
0x4: {  	_ = 	snop  }
0x5: {  	_ = 	snop  }
0x6: {  	_ = 	snop  }
0x7: {  	_ = 	snop  }
__scs_overlays_trampoline_lowered:
0x8: {  	[smem:$0x3FAE] =	sst s0  }
0x9: {  	[smem:$0x3FAF] =	sst s1  }
0xa: {  	[smem:$0x3FB0] =	sst s2  }
0xb: {  	[smem:$0x3FB1] =	sst s3  }
0xc: {  	[smem:$0x3FB2] =	sst s4  }
0xd: {  	[smem:$0x3FB3] =	sst s5  }
0xe: {  	[smem:$0x3FB4] =	sst s6  }
0xf: {  	[smem:$0x3FB5] =	sst s7  }
0x10: {  	[smem:$0x3FB6] =	sst s8  }
0x11: {  	[smem:$0x3FB7] =	sst s9;
	s0 =	simm.s32 @!p0 $0x0  }
0x12: {  	s1 =	sld [smem:$0x3F9D];
	s0 =	simm.s32 @p0 $0x1  }
0x13: {  	[smem:$0x3FB8] =	sst s0;
	s0 =	simm.s32 @!p1 $0x0  }
0x14: {  	s2 =	sld [smem:$0x3F9C];
	s0 =	simm.s32 @p1 $0x1  }
0x15: {  	[smem:$0x3FB9] =	sst s0;
	s0 =	simm.s32 @!p2 $0x0  }
0x16: {  	s3 =	sld [smem:$0x3FDB];
	s0 =	simm.s32 @p2 $0x1  }
0x17: {  	s4 =	simm.s32 $0x1BF5;
	[smem:$0x3FBB] =	sst s0  }
0x18: {  	s0 =	sld [smem:$0x3F9E];
	_ =	swait.ge [sflag:s4], $0x0  }
0x19: {  	s7 =	sld [smem:$0x3F9F]  }
0x1a: {  	s8 =	sadd.s32 $0xFFFFE003, lr  }
0x1b: {  	s9 =	sadd.s32 $0xFFFFFEF7, lr;
	s5 =	simm.s32 $0xFFFFFFFF;
	p2 =	slt.u32 s8, $0xFFFFF086  }
0x1c: {  	p1 =	slt.u32 s9, $0xF7A;
	s5 =	simm.s32 @!p2 $0x0  }
0x1d: {  	s5 =	simm.s32 @p1 $0x1;
	p0 =	seq.s32 s7, s2  }
0x1e: {  	s7 =	smul.u32 @!p0 $0xF7A, s2;
	p2 =	seq.s32 @!p0 s5, $0x0  }
0x1f: {  	s9 =	smul.u32 $0xF7A, s1;
	s8 =	simm.s32 @!p0 $0x1BF5;
	p2 =	por !p2, p0  }
0x20: {  	[sflag:s8] =	ssyncset.s32 @!p0 $0xFFFFF086;
	s6 =	sadd.s32 @!p0 s3, s7;
	s7 =	simm.s32 @!p0 $0x108  }
0x21: {  	s3 =	sadd.s32 s3, s9;
	s6 =	sadd.s32 @!p0 $0x88, s6;
	s7 =	simm.s32 @p2 $0x1082  }
0x22: {  	[simem:s7], [sflag:s8] =	dma.local @!p0 [hbm:s6], $0xF7A  }
0x23: {  	s9 =	sor.u32 $0xD0000000, s2;
	s6 =	simm.s32 $0x108;
	_ =	swait.ge @!p0 [sflag:s8], $0x0  }
0x24: {  	s3 =	sadd.s32 $0x88, s3;
	s6 =	simm.s32 @!p1 $0x1082;
	[sflag:s4] =	ssyncset.s32 $0xFFFFF086  }
0x25: {  	[simem:s6], [sflag:s4] =	dma.local [hbm:s3], $0xF7A  }
0x26: {  	[smem:$0x3F9F] =	sst s1;
	(tag) =	ssettag s2;
	_ =	strace s9  }
0x27: {  	s1 =	sld [smem:$0x3FAF]  }
0x28: {  	s2 =	sld [smem:$0x3FB0]  }
0x29: {  	s4 =	sld [smem:$0x3FB2]  }
0x2a: {  	p0 =	seq.s32 s5, $0x0;
	s5 =	sld [smem:$0x3FB3]  }
0x2b: {  	s6 =	sld [smem:$0x3FB4]  }
0x2c: {  	s7 =	sld [smem:$0x3FB5]  }
0x2d: {  	s3 =	simm.s32 $0x108;
	s8 =	sld [smem:$0x3FB6]  }
0x2e: {  	s3 =	simm.s32 @!p0 $0x1082;
	s9 =	sld [smem:$0x3FB7]  }
0x2f: {  	lr =	sadd.s32 s0, s3;
	s0 =	sld [smem:$0x3FAE]  }
0x30: {  	s3 =	sld [smem:$0x3FB1]  }
0x31: {  	[smem:$0x3FBA] =	sst s10  }
0x32: {  	s10 =	sld [smem:$0x3FB8];
	_ =	sdelay $0x3  }
0x33: {  	p0 =	seq.s32 s10, $0x1;
	s10 =	sld [smem:$0x3FBA];
	_ =	sdelay $0x3  }
0x34: {  	[smem:$0x3FBA] =	sst s10  }
0x35: {  	s10 =	sld [smem:$0x3FB9];
	_ =	sdelay $0x3  }
0x36: {  	p1 =	seq.s32 s10, $0x1;
	s10 =	sld [smem:$0x3FBA];
	_ =	sdelay $0x3  }
0x37: {  	[smem:$0x3FBA] =	sst s10  }
0x38: {  	s10 =	sld [smem:$0x3FBB]  }
0x39: {  	_ = 	snop;
	(pc) =	sbr.ind lr, $3  }
0x3a: {  	_ = 	snop  }
0x3b: {  	_ = 	snop  }
0x3c: {  	p2 =	seq.s32 s10, $0x1;
	s10 =	sld [smem:$0x3FBA]  }
0x3d: {  	_ =	shalt  }
0x3e: {  	_ =	shalt  }
0x3f: {  	_ =	shalt  }
0x40: {  	_ =	shalt  }
0x41: {  	_ =	shalt  }
0x42: {  	_ =	shalt  }
0x43: {  	_ =	shalt  }
0x44: {  	_ =	shalt  }
0x45: {  	_ =	shalt  }
0x46: {  	_ =	shalt  }
0x47: {  	_ =	shalt  }
0x48: {  	_ =	shalt  }
0x49: {  	_ =	shalt  }
0x4a: {  	_ =	shalt  }
0x4b: {  	_ =	shalt  }
0x4c: {  	_ =	shalt  }
0x4d: {  	_ =	shalt  }
0x4e: {  	_ =	shalt  }
0x4f: {  	_ =	shalt  }
0x50: {  	_ =	shalt  }
0x51: {  	_ =	shalt  }
0x52: {  	_ =	shalt  }
0x53: {  	_ =	shalt  }
0x54: {  	_ =	shalt  }
0x55: {  	_ =	shalt  }
0x56: {  	_ =	shalt  }
0x57: {  	_ =	shalt  }
0x58: {  	_ =	shalt  }
0x59: {  	_ =	shalt  }
0x5a: {  	_ =	shalt  }
0x5b: {  	_ =	shalt  }
0x5c: {  	_ =	shalt  }
0x5d: {  	_ =	shalt  }
0x5e: {  	_ =	shalt  }
0x5f: {  	_ =	shalt  }
0x60: {  	_ =	shalt  }
0x61: {  	_ =	shalt  }
0x62: {  	_ =	shalt  }
0x63: {  	_ =	shalt  }
0x64: {  	_ =	shalt  }
0x65: {  	_ =	shalt  }
0x66: {  	_ =	shalt  }
0x67: {  	_ =	shalt  }
0x68: {  	_ =	shalt  }
0x69: {  	_ =	shalt  }
0x6a: {  	_ =	shalt  }
0x6b: {  	_ =	shalt  }
0x6c: {  	_ =	shalt  }
0x6d: {  	_ =	shalt  }
0x6e: {  	_ =	shalt  }
0x6f: {  	_ =	shalt  }
0x70: {  	_ =	shalt  }
0x71: {  	_ =	shalt  }
0x72: {  	_ =	shalt  }
0x73: {  	_ =	shalt  }
0x74: {  	_ =	shalt  }
0x75: {  	_ =	shalt  }
0x76: {  	_ =	shalt  }
0x77: {  	_ =	shalt  }
0x78: {  	_ =	shalt  }
0x79: {  	_ =	shalt  }
0x7a: {  	_ =	shalt  }
0x7b: {  	_ =	shalt  }
0x7c: {  	_ =	shalt  }
0x7d: {  	_ =	shalt  }
0x7e: {  	_ =	shalt  }
0x7f: {  	_ =	shalt  }
0x80: {  	_ =	shalt  }
0x81: {  	_ =	shalt  }
0x82: {  	_ =	shalt  }
0x83: {  	_ =	shalt  }
0x84: {  	_ =	shalt  }
0x85: {  	_ =	shalt  }
0x86: {  	_ =	shalt  }
0x87: {  	_ =	shalt  }
.Lfunc_end0:
.L_simem_size_0:
called_computation.1_lowered:
.L_overlay_start_0:
0x88: {  	s0 =	sld [smem:$0x3FD9]  }
0x89: {  	s1 =	sld [smem:$0x3FFE];
	_ =	sdelay $0x3  }
0x8a: {  	s0 =	sadd.s32 s1, s0  }
0x8b: {  	[smem:$0x3FC6] =	sst s0  }
0x8c: {  	_ = 	snop  }
0x8d: {  	(tm) =	ssettm $0x1  }
0x8e: {  	s15 =	sld [smem:$0x3FFB];
	_ =	sdelay $0x3  }
0x8f: {  	_ =	strace s15  }
0x90: {  	s0 =	sld [smem:$0x3FFC];
	_ =	sdelay $0x3  }
0x91: {  	_ =	strace s0  }
0x92: {  	s0 =	sld [smem:$0x3FFD];
	_ =	sdelay $0x3  }
0x93: {  	_ =	strace s0  }
0x94: {  	_ =	strace $0x8FFFFFFF  }
0x95: {  	s16 =	sld [smem:$0x3FDB];
	_ =	sdelay $0x1  }
0x96: {  	s17 =	simm.s32 $_scs_section_size  }
0x97: {  	s2 =	simm.s32 $_size__tile_overlayer_lowered;
	s3 =	simm.s32 $_tile_overlayer_lowered  }
0x98: {  	s20 =	simm.s32 $0x1BFF;
	s19 =	sshll.u32 s3, $0x1;
	s0 =	sadd.s32 s17, s16  }
0x99: {  	s4 =	simm.s32 $0x0;
	s18 =	sshll.u32 s2, $0x1;
	s2 =	sadd.s32 s19, s0  }
0x9a: {  	[timem:s4], [sflag:s20] =	dma.local [hbm:s2], s18  }
0x9b: {  	_ =	swait.ge [sflag:s20], s18  }
0x9c: {  	s1 =	ssub.s32 $0x0, s18;
	[sflag:s20] =	ssyncset.done $0x0  }
0x9d: {  	[sflag:s20] =	ssyncadd.s32 s1;
	_ =	sdelay $0x1  }
0x9e: {  	s21 =	simm.s32 $0x1B8B  }
0x9f: {  	_ =	swait.ge [sflag:s21], $0x1  }
0xa0: {  	[sflag:s21] =	ssyncset.done $0x0  }
0xa1: {  	s23 =	simm.s32 $0x1B8E;
	s22 =	sld [smem:$0x3FFE];
	[sflag:s21] =	ssyncadd.s32 $0xFFFFFFFF  }
0xa2: {  	s24 =	simm.s32 $execute0_lowered;
	[smem:$0x3FD2] =	sst s23  }
0xa3: {  	s2 =	sshll.u32 s24, $0x1;
	_ =	strace $0x80000049;
	[dreg:$0x1] =	wrdreg $0xFFFFFFFF  }
0xa4: {  	s25 =	simm.s32 $_size_execute0_lowered;
	s0 =	sadd.s32 s0, s2;
	[dreg:$0x0] =	wrdreg $0x0  }
0xa5: {  	s2 =	sshll.u32 s25, $0x1;
	[dreg:$0x2] =	wrdreg s0  }
0xa6: {  	[dreg:$0x3] =	wrdreg s2  }
0xa7: {  	[dreg:$0x4] =	wrdreg $0xC0  }
0xa8: {  	_ =	task [dreg:s4], $0x5FFFF  }
0xa9: {  	[dreg:$0x1] =	wrdreg $0xFFFFFFFF  }
0xaa: {  	[dreg:$0x0] =	wrdreg $0x60  }
0xab: {  	[dreg:$0x2] =	wrdreg s22  }
0xac: {  	[dreg:$0x3] =	wrdreg $0x9  }
0xad: {  	_ =	task.clear_ibuf [dreg:s4], $0x4FFFF;
	_ =	strace $0x90000049  }
0xae: {  	s26 =	simm.s32 $0x9;
	_ =	strace $0x8000004B  }
0xaf: {  	_ =	swait.ge [sflag:s26], $0x1  }
0xb0: {  	[sflag:s26] =	ssyncadd.s32 $0xFFFFFFFF  }
0xb1: {  	_ =	strace $0x9000004B  }
0xb2: {  	_ =	sfence  }
0xb3: {  	s28 =	sld [smem:$0x0];
	_ =	sdelay $0x1  }
0xb4: {  	s29 =	srdreg.scid  }
0xb5: {  	s30 =	sshll.u32 s29, $0xD;
	s31 =	sshrl.u32 s29, $0x2  }
0xb6: {  	s1 =	sand.u32 $0x1, s29;
	s2 =	sand.u32 $0x4000, s30;
	s0 =	sadd.s32 s31, s28  }
0xb7: {  	s1 =	sor.u32 s2, s1;
	s0 =	sshll.u32 s0, $0x11  }
0xb8: {  	s0 =	sor.u32 s0, s1  }
0xb9: {  	s0 =	sadd.s32 $0x8F2B, s0  }
0xba: {  	[sflag:s0] =	ssyncadd.remote.s32 $0x1  }
0xbb: {  	_ =	sfence.sel $0xFFFF  }
0xbc: {  	[dreg:$0x0] =	wrdreg $0xFFFFFFFF;
	(pc) =	sbr.abs _section_cstart, $3  }
0xbd: {  	[dreg:$0x1] =	wrdreg $0xFFFFFFFF  }
0xbe: {  	_ =	task.clear_ibuf [dreg:s4], $0x2FFFF;
	_ =	strace $0x9FFFFFFF  }
0xbf: {  	(tm) =	ssettm $0x7FFFFFFF  }
tec
execute0_lowered:
.L_overlay_start_1:
0x0: {  	(tag) =	ssettag $0x1  }
0x1: {  	s0 =	stileid.u32  }
0x2: {  	s3 =	rddreg [dreg:$0x0];
	s2 =	smul.u32 $0x258, s0  }
0x3: {  	s1 =	rddreg [dreg:$0x1];
	s4 =	simm.s32 $0x0  }
0x4: {  	s6 =	simm.s32 $0x1;
	[smem:$0x7FF] =	sst s4;
	s5 =	sadd.s32 s2, s3  }
0x5: {  	s31 =	smul.u32 $0xE, s0;
	_ =	strace $0x8000004A;
	s5 =	sadd.s32 $0x1400, s5  }
0x6: {  	[tilespmem:s4], [sflag:$0x1] =	stream.linear.gather [hbm4b:s5+s4], $0x12C0, $0x38;
	[tilespmem:$0x27B0] =	vst v63  }
0x7: {  	_ =	swait.ge [sflag:s6], $0x12C0  }
0x8: {  	s5 =	sadd.s32 s31, s3;
	[sflag:s6] =	ssyncset.done $0x0  }
0x9: {  	s7 =	simm.s32 $0x2580;
	s5 =	sadd.s32 $0x3A00, s5;
	[sflag:s6] =	ssyncadd.s32 $0xFFFFED40  }
0xa: {  	[tilespmem:s7], [sflag:$0x1] =	stream.linear.gather [hbm4b:s5+s4], $0x70, $0x38;
	[tilespmem:$0x27B0] =	vst v63  }
0xb: {  	_ =	swait.ge [sflag:s6], $0x70  }
0xc: {  	[sflag:s6] =	ssyncset.done $0x0  }
0xd: {  	[sflag:s6] =	ssyncadd.s32 $0xFFFFFF90  }
0xe: {  	v0 =	vld [tilespmem:$0x2580]  }
0xf: {  	v1 =	vld [tilespmem:$0x2590]  }
0x10: {  	v2 =	vld [tilespmem:$0x25A0]  }
0x11: {  	v3 =	vld [tilespmem:$0x25B0]  }
0x12: {  	v4 =	vld [tilespmem:$0x25C0]  }
0x13: {  	v5 =	vld [tilespmem:$0x25D0];
	[tilespmem:$0x26D0] =	vst v0  }
0x14: {  	[tilespmem:$0x26E0] =	vst v1;
	v1 =	vld [tilespmem:$0x25E0]  }
.Ltmp0:
0x15: {  	[tilespmem:$0x26F0] =	vst v2;
	(pc) =	sbr.rel .LBB2_1-.Ltmp0, $4  }
0x16: {  	[tilespmem:$0x2700] =	vst v3  }
0x17: {  	v9 =	vimm.f32 $1.000000000e+00;
	v0 =	vlaneseq.u32;
	[tilespmem:$0x2710] =	vst v4;
	v2 =	vimm.f32 $0.0e+00  }
0x18: {  	s3 =	sadd.s32 $0x3C00, s3;
	[tilespmem:$0x2720] =	vst v5;
	v3 =	vor.u32 $0x10, v0;
	v4 =	vor.u32 $0x20, v0;
	v5 =	vor.u32 $0x30, v0  }
0x19: {  	p0 =	por $0x0, $0x0;
	s5 =	simm.s32 $0x25F0;
	s6 =	simm.s32 $0x2660;
	v6 =	vor.u32 $0x40, v0;
	v7 =	vor.u32 $0x50, v0;
	v8 =	vor.u32 $0x60, v0;
	[tilespmem:$0x2730] =	vst v1  }
.LBB2_4:
0x1a: {  	v17 =	vsub.f32 v16, v10;
	v18 =	vsub.f32 v16, v11;
	_ =	sdelay $0x1  }
0x1b: {  	v19 =	vsub.f32 v16, v12;
	v17 =	vand.u32 $0x7FFFFFFF, v17;
	v18 =	vand.u32 $0x7FFFFFFF, v18  }
0x1c: {  	vm0 =	vlt.f32 v18, v17  }
0x1d: {  	v35 =	vsub.f32 v16, v13;
	v34 =	vand.u32 $0x7FFFFFFF, v19;
	v17 =	vsel vm0, v18, v17  }
0x1e: {  	vm1 =	vlt.f32 v34, v17  }
0x1f: {  	v37 =	vsub.f32 v16, v14;
	v36 =	vand.u32 $0x7FFFFFFF, v35;
	v17 =	vsel vm1, v34, v17  }
0x20: {  	vm2 =	vlt.f32 v36, v17  }
0x21: {  	v39 =	vsub.f32 v16, v15;
	v38 =	vand.u32 $0x7FFFFFFF, v37;
	v17 =	vsel vm2, v36, v17  }
0x22: {  	v20 =	vsub.f32 v16, v1;
	v21 =	vsel vm0, v3, v0;
	vm3 =	vlt.f32 v38, v17  }
0x23: {  	v40 =	vand.u32 $0x7FFFFFFF, v39;
	v41 =	vsel vm1, v4, v21;
	v17 =	vsel vm3, v38, v17  }
0x24: {  	v19 =	vsel vm2, v5, v41;
	vm9 =	vlt.f32 v40, v17  }
0x25: {  	v42 =	vand.u32 $0x7FFFFFFF, v20;
	v19 =	vsel vm3, v6, v19;
	v17 =	vsel vm9, v40, v17  }
0x26: {  	v43 =	vsel vm9, v7, v19;
	vm10 =	vlt.f32 v42, v17  }
0x27: {  	v17 =	vsel vm10, v8, v43;
	_ =	sdelay $0x4  }
0x28: {  	[tilespmem:v17+s5+$0x0] =	vst.idx.add.f32.msk $0xffff, v16  }
0x29: {  	[tilespmem:v17+s6+$0x0] =	vst.idx.add.f32.msk $0xffff, v9  }
0x2a: {  	v16 =	vld [tilespmem:$0x2660]  }
0x2b: {  	v17 =	vld [tilespmem:$0x2670]  }
0x2c: {  	v44 =	vld [tilespmem:$0x2680]  }
0x2d: {  	v45 =	vld [tilespmem:$0x2690]  }
0x2e: {  	v46 =	vld [tilespmem:$0x26A0]  }
0x2f: {  	v22 =	vld [tilespmem:$0x26B0];
	v47 =	vmax.f32 v16, $1.000000000e+00  }
0x30: {  	v23 =	vld [tilespmem:$0x26C0];
	v48 =	vmax.f32 v17, $1.000000000e+00;
	(erf) = vrcp.f32 v47  }
0x31: {  	v49 =	vmax.f32 v44, $1.000000000e+00;
	(erf) = vrcp.f32 v48  }
0x32: {  	v50 =	vmax.f32 v45, $1.000000000e+00;
	(erf) = vrcp.f32 v49  }
0x33: {  	v51 =	vmax.f32 v46, $1.000000000e+00;
	(erf) = vrcp.f32 v50  }
0x34: {  	v52 =	vmax.f32 v22, $1.000000000e+00;
	(erf) = vrcp.f32 v51  }
0x35: {  	v24 =	vld [tilespmem:$0x25F0];
	v53 =	vmax.f32 v23, $1.000000000e+00;
	(erf) = vrcp.f32 v52  }
0x36: {  	v25 =	vld [tilespmem:$0x2600];
	(erf) = vrcp.f32 v53  }
0x37: {  	v54 =	vld [tilespmem:$0x2610]  }
0x38: {  	v26 =	vld [tilespmem:$0x2620]  }
0x39: {  	v28 =	vld [tilespmem:$0x2630];
	vm11 =	vgt.f32 v16, $0.0e+00;
	v27 =	vpop (erf)  }
0x3a: {  	v30 =	vld [tilespmem:$0x2640];
	vm12 =	vgt.f32 v17, $0.0e+00;
	vm13 =	vgt.f32 v44, $0.0e+00;
	v29 =	vpop (erf);
	v24 =	vmul.f32 v27, v24  }
0x3b: {  	v55 =	vld [tilespmem:$0x2650];
	vm14 =	vgt.f32 v45, $0.0e+00;
	vm15 =	vgt.f32 v46, $0.0e+00;
	v31 =	vpop (erf);
	v56 =	vmul.f32 v29, v25  }
0x3c: {  	vm6 =	vgt.f32 v22, $0.0e+00;
	v32 =	vpop (erf);
	v58 =	vmul.f32 v31, v54;
	v24 =	vsel vm11, v24, v10  }
0x3d: {  	v57 =	vpop (erf);
	v60 =	vmul.f32 v32, v26;
	v17 =	vsel vm12, v56, v11;
	vm7 =	veq.f32 v24, v10  }
0x3e: {  	vm12 =	vgt.f32 v23, $0.0e+00;
	v59 =	vpop (erf);
	v61 =	vmul.f32 v57, v28;
	v18 =	vsel vm13, v58, v12  }
0x3f: {  	vm8 =	veq.f32 v17, v11;
	v62 =	vpop (erf);
	v19 =	vmul.f32 v59, v30;
	v21 =	vsel vm14, v60, v13  }
0x40: {  	vm9 =	vmand vm7, vm8;
	vm10 =	veq.f32 v18, v12;
	v16 =	vmul.f32 v62, v55  }
0x41: {  	v20 =	vsel vm15, v61, v14;
	vm0 =	vmand vm9, vm10;
	vm11 =	veq.f32 v21, v13  }
0x42: {  	v19 =	vsel vm6, v19, v15;
	vm0 =	vmand vm0, vm11;
	vm13 =	veq.f32 v20, v14  }
0x43: {  	v16 =	vsel vm12, v16, v1;
	vm0 =	vmand vm0, vm13;
	vm14 =	veq.f32 v19, v15  }
0x44: {  	vm0 =	vmand vm0, vm14;
	vm15 =	veq.f32 v16, v1  }
0x45: {  	vm0 =	vmand vm0, vm15  }
0x46: {  	v63 =	vsel vm0, $0x3F800000, v2  }
0x47: {  	(xrf0) =	vmin.scan.msk.f32 $0xffff, v63;
	_ =	sdelay $0x5  }
0x48: {  	v22, _, _ =	vpop (xrf0)  }
0x49: {  	(v2sf) =	vpush v22, $0xF;
	_ =	sdelay $0x2  }
0x4a: {  	[tilespmem:$0x2740] =	vst v10  }
0x4b: {  	[tilespmem:$0x2750] =	vst v11  }
0x4c: {  	[tilespmem:$0x2760] =	vst v12  }
0x4d: {  	[tilespmem:$0x2770] =	vst v13  }
0x4e: {  	[tilespmem:$0x2780] =	vst v14  }
0x4f: {  	[tilespmem:$0x2790] =	vst v15  }
0x50: {  	[tilespmem:$0x27A0] =	vst v1  }
0x51: {  	[tilespmem:$0x26D0] =	vst v24  }
0x52: {  	[tilespmem:$0x26E0] =	vst v17  }
0x53: {  	[tilespmem:$0x26F0] =	vst v18  }
0x54: {  	[tilespmem:$0x2700] =	vst v21  }
0x55: {  	[tilespmem:$0x2710] =	vst v20  }
0x56: {  	[tilespmem:$0x2720] =	vst v19;
	s7 =	spop (v2sf)  }
0x57: {  	[tilespmem:$0x2730] =	vst v16;
	v1 =	vmov v16;
	p1 =	sgt.f32 s7, $0.0e+00  }
.LBB2_5:
0x58: {  	s4 =	sadd.s32 $0x1, s4  }
0x59: {  	p2 =	sne.s32 s4, $0x64  }
.Ltmp1:
0x5a: {  	_ = 	snop;
	(pc) =	sbr.rel @!p2 .LBB2_6-.Ltmp1, $2  }
0x5b: {  	_ =	sdelay $0x2  }
0x5c: {  	p0 =	por p1, p1  }
.LBB2_1:
.Ltmp2:
0x5d: {  	(pc) =	sbr.rel @p0 .LBB2_5-.Ltmp2, $2  }
0x5e: {  	_ =	sdelay $0x2  }
0x5f: {  	p1 =	por $0x1, $0x1  }
0x60: {  	[tilespmem:$0x25F0] =	vst v2  }
0x61: {  	[tilespmem:$0x2660] =	vst v2  }
0x62: {  	[tilespmem:$0x2600] =	vst v2  }
0x63: {  	[tilespmem:$0x2670] =	vst v2  }
0x64: {  	[tilespmem:$0x2610] =	vst v2  }
0x65: {  	[tilespmem:$0x2680] =	vst v2  }
0x66: {  	[tilespmem:$0x2620] =	vst v2  }
0x67: {  	[tilespmem:$0x2690] =	vst v2  }
0x68: {  	v10 =	vld [tilespmem:$0x26D0];
	[tilespmem:$0x2630] =	vst v2  }
0x69: {  	v11 =	vld [tilespmem:$0x26E0];
	[tilespmem:$0x26A0] =	vst v2  }
0x6a: {  	v12 =	vld [tilespmem:$0x26F0];
	[tilespmem:$0x2640] =	vst v2  }
0x6b: {  	v13 =	vld [tilespmem:$0x2700];
	[tilespmem:$0x26B0] =	vst v2  }
0x6c: {  	v14 =	vld [tilespmem:$0x2710];
	[tilespmem:$0x2650] =	vst v2  }
0x6d: {  	v15 =	vld [tilespmem:$0x2720];
	[tilespmem:$0x26C0] =	vst v2;
	s7 =	simm.s32 $0x0  }
0x6e: {  	v16 =	vld [tilespmem:s7+$0x0];
	s7 =	simm.s32 $0x40  }
.LBB2_3:
0x6f: {  	p0 =	sne.s32 s7, $0x4AC0;
	_ =	sdelay $0x3  }
0x70: {  	v17 =	vsub.f32 v16, v10;
	v18 =	vsub.f32 v16, v11;
	_ =	sdelay $0x1  }
0x71: {  	v19 =	vsub.f32 v16, v12;
	v17 =	vand.u32 $0x7FFFFFFF, v17;
	v18 =	vand.u32 $0x7FFFFFFF, v18  }
0x72: {  	vm0 =	vlt.f32 v18, v17  }
0x73: {  	v17 =	vsel vm0, v18, v17;
	v18 =	vand.u32 $0x7FFFFFFF, v19;
	v19 =	vsub.f32 v16, v13  }
0x74: {  	vm1 =	vlt.f32 v18, v17  }
0x75: {  	v17 =	vsel vm1, v18, v17;
	v18 =	vand.u32 $0x7FFFFFFF, v19;
	v19 =	vsub.f32 v16, v14  }
0x76: {  	vm2 =	vlt.f32 v18, v17  }
0x77: {  	v17 =	vsel vm2, v18, v17;
	v18 =	vand.u32 $0x7FFFFFFF, v19;
	v19 =	vsub.f32 v16, v15  }
0x78: {  	v20 =	vsub.f32 v16, v1;
	v21 =	vsel vm0, v3, v0;
	vm3 =	vlt.f32 v18, v17  }
0x79: {  	v17 =	vsel vm3, v18, v17;
	v18 =	vand.u32 $0x7FFFFFFF, v19;
	v19 =	vsel vm1, v4, v21  }
0x7a: {  	vm0 =	vlt.f32 v18, v17;
	v19 =	vsel vm2, v5, v19  }
0x7b: {  	v17 =	vsel vm0, v18, v17;
	v18 =	vand.u32 $0x7FFFFFFF, v20;
	v19 =	vsel vm3, v6, v19  }
0x7c: {  	vm1 =	vlt.f32 v18, v17;
	v17 =	vsel vm0, v7, v19  }
0x7d: {  	v17 =	vsel vm1, v8, v17;
	_ =	sdelay $0x2  }
.Ltmp3:
0x7e: {  	(pc) =	sbr.rel @p0 .LBB2_3-.Ltmp3, $4  }
0x7f: {  	_ = 	snop  }
0x80: {  	[tilespmem:v17+s5+$0x0] =	vst.idx.add.f32.msk $0xffff, v16  }
0x81: {  	s8 =	sshra.s32 s7, $0x2;
	[tilespmem:v17+s6+$0x0] =	vst.idx.add.f32.msk $0xffff, v9  }
0x82: {  	s7 =	sadd.s32 $0x40, s7;
	v16 =	vld [tilespmem:s8+$0x0]  }
.Ltmp4:
0x83: {  	_ = 	snop;
	(pc) =	sbr.rel .LBB2_4-.Ltmp4, $1  }
0x84: {  	_ =	sdelay $0x3  }
.LBB2_6:
0x85: {  	v7 =	vld [tilespmem:$0x2740]  }
0x86: {  	v5 =	vld [tilespmem:$0x2750];
	s4 =	simm.s32 $0x0  }
0x87: {  	v8 =	vld [tilespmem:s4+$0x0]  }
0x88: {  	v6 =	vld [tilespmem:$0x2760];
	_ =	sdelay $0x2  }
0x89: {  	v3 =	vld [tilespmem:$0x2770]  }
0x8a: {  	v0 =	vld [tilespmem:$0x27A0];
	v2 =	vsub.f32 v8, v5  }
0x8b: {  	v4 =	vld [tilespmem:$0x2780];
	v1 =	vsub.f32 v8, v7;
	v9 =	vsub.f32 v8, v6  }
0x8c: {  	s5 =	simm.s32 $0x10;
	v11 =	vand.u32 $0x7FFFFFFF, v2;
	v2 =	vld [tilespmem:$0x2790]  }
0x8d: {  	v10 =	vand.u32 $0x7FFFFFFF, v1;
	v12 =	vand.u32 $0x7FFFFFFF, v9;
	v9 =	vld [tilespmem:s5+$0x0]  }
0x8e: {  	vm0 =	vlt.f32 v11, v10  }
0x8f: {  	v13 =	vsub.f32 v8, v3;
	v11 =	vsel vm0, v11, v10  }
0x90: {  	s6 =	simm.s32 $0x80;
	v1 =	vimm.s32 $0x0;
	v10 =	vsub.f32 v8, v0;
	vm1 =	vlt.f32 v12, v11  }
.LBB2_7:
0x91: {  	p0 =	sne.s32 s6, $0x4AC0;
	v11 =	vsel vm1, v12, v11;
	v12 =	vand.u32 $0x7FFFFFFF, v13;
	v13 =	vsub.f32 v8, v4  }
0x92: {  	v15 =	vsub.f32 v8, v2;
	v14 =	vsub.f32 v9, v6;
	vm2 =	vlt.f32 v12, v11;
	v8 =	vmovc v9  }
0x93: {  	v9 =	vsub.f32 v8, v7;
	v11 =	vsel vm2, v12, v11;
	v12 =	vand.u32 $0x7FFFFFFF, v13  }
0x94: {  	v16 =	vsel vm0, $0x1, v1;
	v13 =	vsub.f32 v8, v5;
	vm0 =	vlt.f32 v12, v11  }
0x95: {  	v16 =	vsel vm1, $0x2, v16;
	v11 =	vsel vm0, v12, v11;
	v12 =	vand.u32 $0x7FFFFFFF, v15  }
0x96: {  	v10 =	vand.u32 $0x7FFFFFFF, v10;
	v15 =	vsel vm2, $0x3, v16;
	vm1 =	vlt.f32 v12, v11  }
.Ltmp5:
0x97: {  	s7 =	sshra.s32 s6, $0x2;
	v16 =	vand.u32 $0x7FFFFFFF, v9;
	v15 =	vsel vm0, $0x4, v15;
	v11 =	vsel vm1, v12, v11;
	(pc) =	sbr.rel @p0 .LBB2_7-.Ltmp5, $4  }
0x98: {  	v12 =	vand.u32 $0x7FFFFFFF, v13;
	v13 =	vsel vm1, $0x5, v15;
	v9 =	vld [tilespmem:s7+$0x0];
	vm1 =	vlt.f32 v10, v11  }
0x99: {  	vm0 =	vlt.f32 v12, v16;
	v10 =	vsel vm1, $0x6, v13  }
0x9a: {  	v11 =	vsel vm0, v12, v16;
	v12 =	vand.u32 $0x7FFFFFFF, v14;
	v13 =	vsub.f32 v8, v3;
	[tilespmem:s4+$0x12C0] =	vst v10;
	s4 =	smov.u32 s5;
	s5 =	smov.u32 s7  }
0x9b: {  	s6 =	sadd.s32 $0x40, s6;
	vm1 =	vlt.f32 v12, v11;
	v10 =	vsub.f32 v8, v0  }
0x9c: {  	v11 =	vsel vm1, v12, v11;
	v50 =	vand.u32 $0x7FFFFFFF, v13  }
0x9d: {  	v51 =	vsub.f32 v8, v4;
	v52 =	vsub.f32 v8, v2;
	v54 =	vsel vm0, $0x1, v1  }
0x9e: {  	vm2 =	vlt.f32 v50, v11;
	v7 =	vsub.f32 v9, v7;
	v5 =	vsub.f32 v9, v5  }
0x9f: {  	v6 =	vsub.f32 v9, v6;
	v13 =	vsel vm1, $0x2, v54;
	v3 =	vsub.f32 v9, v3  }
0xa0: {  	v56 =	vand.u32 $0x7FFFFFFF, v10;
	v58 =	vsub.f32 v9, v4;
	v61 =	vsub.f32 v9, v2  }
0xa1: {  	v0 =	vsub.f32 v9, v0;
	v7 =	vand.u32 $0x7FFFFFFF, v7;
	v5 =	vand.u32 $0x7FFFFFFF, v5  }
0xa2: {  	v11 =	vsel vm2, v50, v11;
	v53 =	vand.u32 $0x7FFFFFFF, v51;
	vm9 =	vlt.f32 v5, v7  }
0xa3: {  	v8 =	vand.u32 $0x7FFFFFFF, v52;
	v6 =	vand.u32 $0x7FFFFFFF, v6;
	v5 =	vsel vm9, v5, v7  }
0xa4: {  	v55 =	vsel vm2, $0x3, v13;
	vm7 =	vlt.f32 v53, v11;
	vm10 =	vlt.f32 v6, v5  }
0xa5: {  	v3 =	vand.u32 $0x7FFFFFFF, v3;
	v4 =	vand.u32 $0x7FFFFFFF, v58;
	v5 =	vsel vm10, v6, v5  }
0xa6: {  	v2 =	vand.u32 $0x7FFFFFFF, v61;
	v0 =	vand.u32 $0x7FFFFFFF, v0;
	vm11 =	vlt.f32 v3, v5  }
0xa7: {  	v11 =	vsel vm7, v53, v11;
	v57 =	vsel vm7, $0x4, v55;
	v3 =	vsel vm11, v3, v5  }
0xa8: {  	vm8 =	vlt.f32 v8, v11;
	v62 =	vsel vm9, $0x1, v1;
	vm12 =	vlt.f32 v4, v3  }
0xa9: {  	v59 =	vsel vm8, v8, v11;
	v1 =	vsel vm10, $0x2, v62;
	v3 =	vsel vm12, v4, v3  }
0xaa: {  	v60 =	vsel vm8, $0x5, v57;
	v1 =	vsel vm11, $0x3, v1;
	vm14 =	vlt.f32 v2, v3  }
0xab: {  	vm13 =	vlt.f32 v56, v59;
	v1 =	vsel vm12, $0x4, v1;
	v2 =	vsel vm14, v2, v3  }
0xac: {  	v63 =	vsel vm13, $0x6, v60;
	v1 =	vsel vm14, $0x5, v1;
	vm15 =	vlt.f32 v0, v2  }
0xad: {  	s2 =	sadd.s32 s3, s2;
	[tilespmem:s4+$0x12C0] =	vst v63;
	v0 =	vsel vm15, $0x6, v1  }
0xae: {  	s29 =	simm.s32 $0x0;
	s30 =	simm.s32 $0x12C0;
	s31 =	simm.s32 $0x1;
	[tilespmem:s5+$0x12C0] =	vst v0  }
0xaf: {  	[hbm4b:s2+s29] =	stream.linear.scatter [tilespmem:s30], [sflag:$0x1], $0x12C0, $0x38;
	[tilespmem:$0x27B0] =	vst v63  }
0xb0: {  	_ =	swait.ge [sflag:s31], $0x12C0  }
0xb1: {  	[sflag:s31] =	ssyncset.done $0x0  }
0xb2: {  	[sflag:s31] =	ssyncadd.s32 $0xFFFFED40  }
0xb3: {  	_ =	sfence.sel $0x180000  }
0xb4: {  	[bflag:$0x0] =	sbarrier.arrive $0xFFFF  }
0xb5: {  	p0 =	sne.s32 s0, $0x0;
	_ =	strace $0x9000004A  }
0xb6: {  	s0 =	sadd.s32 @!p0 $0x100000, s1;
	[bflag:$0x2] =	sbarrier.arrive $0xFFFF  }
0xb7: {  	[sflag:s0] =	ssyncadd.tile.s32 @!p0 $0x1;
	_ =	shalt  }
.Lfunc_end2:
_tile_overlayer_lowered:
.L_overlay_start_2:
0xb8: {  	(tag) =	ssettag $0x2  }
0xb9: {  	s0 =	rddreg [dreg:$0x0];
	s2 =	stileid.u32  }
0xba: {  	s1 =	rddreg [dreg:$0x1];
	p0 =	sne.s32 s2, $0x0  }
0xbb: {  	s3 =	rddreg [dreg:$0x2];
	[bflag:$0x3] =	sbarrier.arrive $0xFFFF;
	s2 =	simm.s32 @!p0 $0x1C01  }
0xbc: {  	[timem:s3], [sflag:s2] =	dma.local @!p0 [hbm:s0], s1  }
0xbd: {  	s0 =	simm.s32 @!p0 $0x1  }
0xbe: {  	_ =	swait.ge @!p0 [sflag:s0], s1  }
0xbf: {  	s1 =	ssub.s32 @!p0 $0x0, s1;
	[sflag:s0] =	ssyncset.done @!p0 $0x0  }
0xc0: {  	[sflag:s0] =	ssyncadd.s32 @!p0 s1  }
0xc1: {  	[bflag:$0x3] =	sbarrier.arrive $0xFFFF  }
0xc2: {  	_ =	shalt  }

</sc_bundles>
